<compile_context>
chip_gen: v7x
topology: tpu7x:2x2x1
jax: 0.10.2.dev20260603
libtpu: 0.0.44.dev20260713+nightly
codegen_flags: <defaults>
</compile_context>

<pallas_src>
import functools

import jax
import jax.numpy as jnp
from jax import lax
from jax.experimental import pallas as pl
from jax.experimental.pallas import tpu as pltpu
from jax.experimental.pallas import tpu_sc as plsc

N_EMB = 1024
D_EMB = 256
COMMIT_BETA = 0.25
TOTAL_M = 16 * 32 * 32
BLOCK_M = 1024
N_BLOCKS = TOTAL_M // BLOCK_M
SC_CHUNK = 128
SC_NBUF = 3


def _tc_distance_argmin_body(x_ref, e_ref, idx_ref, loss_ref, et_ref, ct_ref):
    i = pl.program_id(0)

    @pl.when(i == 0)
    def _once():
        et = e_ref[...].T
        et_ref[...] = et
        ct_ref[...] = jnp.sum(et * et, axis=1, keepdims=True)

    x = x_ref[...]
    ones_row = jnp.ones((1, D_EMB), jnp.float32)
    rst = lax.dot_general(ones_row, x * x, (((1,), (1,)), ((), ())),
                          preferred_element_type=jnp.float32)
    mm2 = lax.dot_general(et_ref[...], x * -2.0, (((1,), (1,)), ((), ())),
                          preferred_element_type=jnp.float32)
    d = (ct_ref[...] + rst) + mm2
    dmin = jnp.min(d, axis=0, keepdims=True)
    iota = lax.broadcasted_iota(jnp.int32, d.shape, 0).astype(jnp.float32)
    key = jnp.where(d == dmin, iota, jnp.float32(N_EMB))
    idx_ref[...] = jnp.min(key, axis=0, keepdims=True).astype(
        jnp.int32).reshape(1, 1, BLOCK_M)

    part = jnp.sum(dmin).reshape(1, 1)

    @pl.when(i == 0)
    def _init():
        loss_ref[...] = part

    @pl.when(i > 0)
    def _acc():
        loss_ref[...] += part


def _tc_distance_argmin(flat, embeddings):
    return pl.pallas_call(
        _tc_distance_argmin_body,
        grid=(N_BLOCKS,),
        in_specs=[
            pl.BlockSpec((BLOCK_M, D_EMB), lambda i: (i, 0)),
            pl.BlockSpec((D_EMB, N_EMB), lambda i: (0, 0)),
        ],
        out_specs=[
            pl.BlockSpec((1, 1, BLOCK_M), lambda i: (i, 0, 0)),
            pl.BlockSpec((1, 1), lambda i: (0, 0)),
            pl.BlockSpec((N_EMB, D_EMB), lambda i: (0, 0)),
        ],
        out_shape=[
            jax.ShapeDtypeStruct((N_BLOCKS, 1, BLOCK_M), jnp.int32),
            jax.ShapeDtypeStruct((1, 1), jnp.float32),
            jax.ShapeDtypeStruct((N_EMB, D_EMB), jnp.float32),
        ],
        scratch_shapes=[pltpu.VMEM((N_EMB, 1), jnp.float32)],
    )(flat, embeddings)


def _sc_gather_rows(table, idx2d):
    info = plsc.get_sparse_core_info()
    n_workers = info.num_cores * info.num_subcores
    b_per_w = TOTAL_M // n_workers
    n_chunks = b_per_w // SC_CHUNK
    mesh = plsc.VectorSubcoreMesh(core_axis_name="c", subcore_axis_name="s")

    @functools.partial(
        pl.kernel, mesh=mesh,
        out_type=jax.ShapeDtypeStruct((TOTAL_M, D_EMB), jnp.float32),
        scratch_types=(
            [pltpu.VMEM((b_per_w,), jnp.int32)]
            + [pltpu.VMEM((SC_CHUNK, D_EMB), jnp.float32)] * SC_NBUF
            + [pltpu.SemaphoreType.DMA] * (2 * SC_NBUF)
        ),
    )
    def gather_kernel(table_hbm, idx_hbm, out_hbm, idx_v, *scr):
        rows = scr[:SC_NBUF]
        gsem = scr[SC_NBUF:2 * SC_NBUF]
        ssem = scr[2 * SC_NBUF:]
        wid = lax.axis_index("s") * info.num_cores + lax.axis_index("c")
        base = wid * b_per_w
        row = base // BLOCK_M
        col = base % BLOCK_M
        pltpu.sync_copy(idx_hbm.at[row, 0, pl.ds(col, b_per_w)], idx_v)

        def gather_start(k):
            b = k % SC_NBUF
            return pltpu.async_copy(
                table_hbm.at[idx_v.at[pl.ds(k * SC_CHUNK, SC_CHUNK)]],
                rows[b], gsem[b])

        gathers = [gather_start(k) for k in range(min(SC_NBUF, n_chunks))]
        scatters = [None] * n_chunks
        for k in range(n_chunks):
            b = k % SC_NBUF
            gathers[k].wait()
            scatters[k] = pltpu.async_copy(
                rows[b], out_hbm.at[pl.ds(base + k * SC_CHUNK, SC_CHUNK)],
                ssem[b])
            nk = k + SC_NBUF
            if nk < n_chunks:
                scatters[k].wait()
                gathers.append(gather_start(nk))
        for k in range(max(0, n_chunks - SC_NBUF), n_chunks):
            scatters[k].wait()

    return gather_kernel(table, idx2d)


def kernel(inputs, embeddings):
    flat = inputs.reshape(TOTAL_M, D_EMB)
    idx2d, loss_sum, emb_t = _tc_distance_argmin(flat, embeddings)
    out_flat = _sc_gather_rows(emb_t, idx2d)
    out = out_flat.reshape(inputs.shape)
    aux_loss = (1.0 + COMMIT_BETA) * (loss_sum[0, 0] / (TOTAL_M * D_EMB))
    return out, aux_loss

# --- scband reference (transcript-rebuilt; emitter-appended) ---
"""Pipeline reference for scband-vector-quantizer-35966056136995 (READ-ONLY COPY).

The authoritative reference and input builder live on the scoring server;
editing this copy changes nothing except your own understanding.
"""

import jax, jax.numpy as jnp
import numpy as np

NUM_EMB = 1024
EMB_DIM = 256
BETA = 0.25


def setup_inputs(seed: int = 0) -> dict:
    key = jax.random.key(seed)
    k1, k2 = jax.random.split(key)
    inputs = jax.random.normal(k1, (16, 32, 32, EMB_DIM), dtype=jnp.float32)
    # keras 'uniform' initializer: U(-0.05, 0.05); note layout (emb_dim, num_emb)
    embeddings = jax.random.uniform(k2, (EMB_DIM, NUM_EMB), minval=-0.05, maxval=0.05, dtype=jnp.float32)
    return {"inputs": inputs, "embeddings": embeddings}


def reference(inputs, embeddings):
    original_shape = inputs.shape
    flat = inputs.reshape(-1, EMB_DIM)
    # nearest embedding via expanded squared L2 distance
    distances = (
        jnp.sum(jnp.square(flat), axis=1, keepdims=True)
        + jnp.sum(jnp.square(embeddings), axis=0)
        - 2.0 * (flat @ embeddings)
    )
    embedding_indices = jnp.argmin(distances, axis=-1)
    encodings = jax.nn.one_hot(embedding_indices, NUM_EMB, dtype=flat.dtype)
    quantized = encodings @ embeddings.T
    quantized = quantized.reshape(original_shape)
    commitment_loss = jnp.mean(jnp.square(inputs - jax.lax.stop_gradient(quantized)))
    emb_loss = jnp.mean(jnp.square(quantized - jax.lax.stop_gradient(inputs)))
    aux_loss = emb_loss + BETA * commitment_loss  # keras add_loss term
    out = inputs + jax.lax.stop_gradient(quantized - inputs)  # straight-through
    return out, aux_loss

if __name__ == "__main__":
    import jax
    _d = setup_inputs()
    print(jax.jit(kernel)(*tuple(_d.values())))

</pallas_src>

<mosaic_0001>
#map = affine_map<(d0, d1) -> (0, 0)>
#map1 = affine_map<(d0, d1) -> (0, 0, 0)>
module attributes {stable_mosaic.version = 14 : i64} {
  func.func @gather_kernel(%arg0: i32, %arg1: i32, %arg2: memref<1024x256xf32, #tpu.memory_space<hbm>>, %arg3: memref<16x1x1024xi32, #tpu.memory_space<hbm>>, %arg4: memref<16384x256xf32, #tpu.memory_space<hbm>>, %arg5: memref<512xi32, #tpu.memory_space<vmem>>, %arg6: memref<128x256xf32, #tpu.memory_space<vmem>>, %arg7: memref<128x256xf32, #tpu.memory_space<vmem>>, %arg8: memref<128x256xf32, #tpu.memory_space<vmem>>, %arg9: memref<!tpu.dma_semaphore, #tpu.memory_space<semaphore_mem>>, %arg10: memref<!tpu.dma_semaphore, #tpu.memory_space<semaphore_mem>>, %arg11: memref<!tpu.dma_semaphore, #tpu.memory_space<semaphore_mem>>, %arg12: memref<!tpu.dma_semaphore, #tpu.memory_space<semaphore_mem>>, %arg13: memref<!tpu.dma_semaphore, #tpu.memory_space<semaphore_mem>>, %arg14: memref<!tpu.dma_semaphore, #tpu.memory_space<semaphore_mem>>) attributes {dimension_semantics = [#tpu.dimension_semantics<core_parallel>, #tpu.dimension_semantics<subcore_parallel>], iteration_bounds = array<i64: 2, 16>, scalar_prefetch = 0 : i64, scratch_operands = 10 : i64, tpu.core_type = #tpu.core_type<sc_vector_subcore>, window_params = [{transform_indices = #map}, {transform_indices = #map1}, {transform_indices = #map}]} {
    %mul3A = arith.constant 2 : i32
    %mul3A_0 = arith.muli %arg1, %mul3A : i32
    %add3A = arith.addi %mul3A_0, %arg0 : i32
    %mul3A_1 = arith.constant 512 : i32
    %mul3A_2 = arith.muli %add3A, %mul3A_1 : i32
    %jit3A = arith.constant 1024 : i32
    %div3A = arith.divsi %mul3A_2, %jit3A : i32
    %sign3A = arith.constant 0 : i32
    %sign3A_3 = arith.cmpi sgt, %mul3A_2, %sign3A : i32
    %sign3A_4 = arith.extui %sign3A_3 : i1 to i32
    %sign3A_5 = arith.constant 0 : i32
    %sign3A_6 = arith.cmpi slt, %mul3A_2, %sign3A_5 : i32
    %sign3A_7 = arith.extui %sign3A_6 : i1 to i32
    %sign3A_8 = arith.subi %sign3A_4, %sign3A_7 : i32
    %sign3A_9 = arith.constant 0 : i32
    %sign3A_10 = arith.cmpi sgt, %jit3A, %sign3A_9 : i32
    %sign3A_11 = arith.extui %sign3A_10 : i1 to i32
    %sign3A_12 = arith.constant 0 : i32
    %sign3A_13 = arith.cmpi slt, %jit3A, %sign3A_12 : i32
    %sign3A_14 = arith.extui %sign3A_13 : i1 to i32
    %sign3A_15 = arith.subi %sign3A_11, %sign3A_14 : i32
    %ne3A = arith.cmpi ne, %sign3A_8, %sign3A_15 : i32
    %rem3A = arith.remsi %mul3A_2, %jit3A : i32
    %ne3A_16 = arith.constant 0 : i32
    %ne3A_17 = arith.cmpi ne, %rem3A, %ne3A_16 : i32
    %and3A = arith.andi %ne3A, %ne3A_17 : i1
    %sub3A = arith.constant 1 : i32
    %sub3A_18 = arith.subi %div3A, %sub3A : i32
    %select_n3A = arith.select %and3A, %sub3A_18, %div3A : i32
    %jit3A_19 = arith.constant 1024 : i32
    %eq3A = arith.constant 0 : i32
    %eq3A_20 = arith.cmpi eq, %jit3A_19, %eq3A : i32
    %jit3A_21 = arith.constant 1 : i32
    %select_n3A_22 = arith.select %eq3A_20, %jit3A_21, %jit3A_19 : i32
    %rem3A_23 = arith.remsi %mul3A_2, %select_n3A_22 : i32
    %ne3A_24 = arith.constant 0 : i32
    %ne3A_25 = arith.cmpi ne, %rem3A_23, %ne3A_24 : i32
    %lt3A = arith.constant 0 : i32
    %lt3A_26 = arith.cmpi slt, %rem3A_23, %lt3A : i32
    %lt3A_27 = arith.constant 0 : i32
    %lt3A_28 = arith.cmpi slt, %select_n3A_22, %lt3A_27 : i32
    %ne3A_29 = arith.xori %lt3A_26, %lt3A_28 : i1
    %and3A_30 = arith.andi %ne3A_29, %ne3A_25 : i1
    %add3A_31 = arith.addi %rem3A_23, %select_n3A_22 : i32
    %select_n3A_32 = arith.select %and3A_30, %add3A_31, %rem3A_23 : i32
    %run_scoped3A = arith.constant 0 : i32
    "tpu.region"() ({
      %run_scoped3A_111 = tpu.sem_alloc : memref<!tpu.dma_semaphore, #tpu.memory_space<semaphore_mem>>
      %dma_start3A_112 = tpu.memref_slice %arg3[%select_n3A, %run_scoped3A, %select_n3A_32] : memref<16x1x1024xi32, #tpu.memory_space<hbm>> -> memref<1x1x512xi32, #tpu.memory_space<hbm>>
      %dma_start3A_113 = tpu.memref_squeeze %dma_start3A_112 : memref<1x1x512xi32, #tpu.memory_space<hbm>> -> memref<512xi32, #tpu.memory_space<hbm>>
      %dma_start3A_114 = tpu.memref_slice %arg3[%select_n3A, %run_scoped3A, %select_n3A_32] : memref<16x1x1024xi32, #tpu.memory_space<hbm>> -> memref<1x1x512xi32, #tpu.memory_space<hbm>>
      %dma_start3A_115 = tpu.memref_squeeze %dma_start3A_114 : memref<1x1x512xi32, #tpu.memory_space<hbm>> -> memref<512xi32, #tpu.memory_space<hbm>>
      tpu.enqueue_dma source(%dma_start3A_115 : memref<512xi32, #tpu.memory_space<hbm>>) target(%arg5 : memref<512xi32, #tpu.memory_space<vmem>>) target_semaphore(%run_scoped3A_111 : memref<!tpu.dma_semaphore, #tpu.memory_space<semaphore_mem>>)
      %dma_wait3A_116 = tpu.memref_slice %arg3[%select_n3A, %run_scoped3A, %select_n3A_32] : memref<16x1x1024xi32, #tpu.memory_space<hbm>> -> memref<1x1x512xi32, #tpu.memory_space<hbm>>
      %dma_wait3A_117 = tpu.memref_squeeze %dma_wait3A_116 : memref<1x1x512xi32, #tpu.memory_space<hbm>> -> memref<512xi32, #tpu.memory_space<hbm>>
      %dma_wait3A_118 = tpu.memref_slice %arg3[%select_n3A, %run_scoped3A, %select_n3A_32] : memref<16x1x1024xi32, #tpu.memory_space<hbm>> -> memref<1x1x512xi32, #tpu.memory_space<hbm>>
      %dma_wait3A_119 = tpu.memref_squeeze %dma_wait3A_118 : memref<1x1x512xi32, #tpu.memory_space<hbm>> -> memref<512xi32, #tpu.memory_space<hbm>>
      tpu.wait_dma2 semaphore(%run_scoped3A_111 : memref<!tpu.dma_semaphore, #tpu.memory_space<semaphore_mem>>) src(%dma_wait3A_119 : memref<512xi32, #tpu.memory_space<hbm>>) dst(%arg5 : memref<512xi32, #tpu.memory_space<vmem>>)
      tpu.yield
    }) : () -> ()
    %dma_start3A = arith.constant 0 : i32
    %dma_start3A_33 = tpu.memref_slice %arg5[%dma_start3A] : memref<512xi32, #tpu.memory_space<vmem>> -> memref<128xi32, #tpu.memory_space<vmem>>
    %dma_start3A_34 = arith.constant 0 : i32
    %dma_start3A_35 = arith.constant 0 : i32
    %dma_start3A_36 = tpu.memref_slice %arg2[%dma_start3A_34, %dma_start3A_35] : memref<1024x256xf32, #tpu.memory_space<hbm>> -> memref<1024x256xf32, #tpu.memory_space<hbm>>
    tpu.enqueue_indirect_dma source(%dma_start3A_36 : memref<1024x256xf32, #tpu.memory_space<hbm>>) target(%arg6 : memref<128x256xf32, #tpu.memory_space<vmem>>) offsets(%dma_start3A_33 : memref<128xi32, #tpu.memory_space<vmem>>) semaphore(%arg9 : memref<!tpu.dma_semaphore, #tpu.memory_space<semaphore_mem>>)
    %dma_start3A_37 = arith.constant 128 : i32
    %dma_start3A_38 = tpu.memref_slice %arg5[%dma_start3A_37] : memref<512xi32, #tpu.memory_space<vmem>> -> memref<128xi32, #tpu.memory_space<vmem>>
    %dma_start3A_39 = arith.constant 0 : i32
    %dma_start3A_40 = arith.constant 0 : i32
    %dma_start3A_41 = tpu.memref_slice %arg2[%dma_start3A_39, %dma_start3A_40] : memref<1024x256xf32, #tpu.memory_space<hbm>> -> memref<1024x256xf32, #tpu.memory_space<hbm>>
    tpu.enqueue_indirect_dma source(%dma_start3A_41 : memref<1024x256xf32, #tpu.memory_space<hbm>>) target(%arg7 : memref<128x256xf32, #tpu.memory_space<vmem>>) offsets(%dma_start3A_38 : memref<128xi32, #tpu.memory_space<vmem>>) semaphore(%arg10 : memref<!tpu.dma_semaphore, #tpu.memory_space<semaphore_mem>>)
    %dma_start3A_42 = arith.constant 256 : i32
    %dma_start3A_43 = tpu.memref_slice %arg5[%dma_start3A_42] : memref<512xi32, #tpu.memory_space<vmem>> -> memref<128xi32, #tpu.memory_space<vmem>>
    %dma_start3A_44 = arith.constant 0 : i32
    %dma_start3A_45 = arith.constant 0 : i32
    %dma_start3A_46 = tpu.memref_slice %arg2[%dma_start3A_44, %dma_start3A_45] : memref<1024x256xf32, #tpu.memory_space<hbm>> -> memref<1024x256xf32, #tpu.memory_space<hbm>>
    tpu.enqueue_indirect_dma source(%dma_start3A_46 : memref<1024x256xf32, #tpu.memory_space<hbm>>) target(%arg8 : memref<128x256xf32, #tpu.memory_space<vmem>>) offsets(%dma_start3A_43 : memref<128xi32, #tpu.memory_space<vmem>>) semaphore(%arg11 : memref<!tpu.dma_semaphore, #tpu.memory_space<semaphore_mem>>)
    %dma_wait3A = arith.constant 0 : i32
    %dma_wait3A_47 = tpu.memref_slice %arg5[%dma_wait3A] : memref<512xi32, #tpu.memory_space<vmem>> -> memref<128xi32, #tpu.memory_space<vmem>>
    %dma_wait3A_48 = arith.constant 0 : i32
    %dma_wait3A_49 = arith.constant 0 : i32
    %dma_wait3A_50 = tpu.memref_slice %arg2[%dma_wait3A_48, %dma_wait3A_49] : memref<1024x256xf32, #tpu.memory_space<hbm>> -> memref<1024x256xf32, #tpu.memory_space<hbm>>
    tpu.wait_indirect_dma semaphore(%arg9 : memref<!tpu.dma_semaphore, #tpu.memory_space<semaphore_mem>>) src(%dma_wait3A_50 : memref<1024x256xf32, #tpu.memory_space<hbm>>) dst(%arg6 : memref<128x256xf32, #tpu.memory_space<vmem>>)
    %add3A_51 = arith.constant 0 : i32
    %add3A_52 = arith.addi %mul3A_2, %add3A_51 : i32
    %dma_start3A_53 = arith.constant 0 : i32
    %dma_start3A_54 = tpu.memref_slice %arg4[%add3A_52, %dma_start3A_53] : memref<16384x256xf32, #tpu.memory_space<hbm>> -> memref<128x256xf32, #tpu.memory_space<hbm>>
    %dma_start3A_55 = arith.constant 0 : i32
    %dma_start3A_56 = tpu.memref_slice %arg4[%add3A_52, %dma_start3A_55] : memref<16384x256xf32, #tpu.memory_space<hbm>> -> memref<128x256xf32, #tpu.memory_space<hbm>>
    tpu.enqueue_dma source(%arg6 : memref<128x256xf32, #tpu.memory_space<vmem>>) target(%dma_start3A_56 : memref<128x256xf32, #tpu.memory_space<hbm>>) target_semaphore(%arg12 : memref<!tpu.dma_semaphore, #tpu.memory_space<semaphore_mem>>)
    %dma_wait3A_57 = arith.constant 0 : i32
    %dma_wait3A_58 = tpu.memref_slice %arg4[%add3A_52, %dma_wait3A_57] : memref<16384x256xf32, #tpu.memory_space<hbm>> -> memref<128x256xf32, #tpu.memory_space<hbm>>
    %dma_wait3A_59 = arith.constant 0 : i32
    %dma_wait3A_60 = tpu.memref_slice %arg4[%add3A_52, %dma_wait3A_59] : memref<16384x256xf32, #tpu.memory_space<hbm>> -> memref<128x256xf32, #tpu.memory_space<hbm>>
    tpu.wait_dma2 semaphore(%arg12 : memref<!tpu.dma_semaphore, #tpu.memory_space<semaphore_mem>>) src(%arg6 : memref<128x256xf32, #tpu.memory_space<vmem>>) dst(%dma_wait3A_60 : memref<128x256xf32, #tpu.memory_space<hbm>>)
    %dma_start3A_61 = arith.constant 384 : i32
    %dma_start3A_62 = tpu.memref_slice %arg5[%dma_start3A_61] : memref<512xi32, #tpu.memory_space<vmem>> -> memref<128xi32, #tpu.memory_space<vmem>>
    %dma_start3A_63 = arith.constant 0 : i32
    %dma_start3A_64 = arith.constant 0 : i32
    %dma_start3A_65 = tpu.memref_slice %arg2[%dma_start3A_63, %dma_start3A_64] : memref<1024x256xf32, #tpu.memory_space<hbm>> -> memref<1024x256xf32, #tpu.memory_space<hbm>>
    tpu.enqueue_indirect_dma source(%dma_start3A_65 : memref<1024x256xf32, #tpu.memory_space<hbm>>) target(%arg6 : memref<128x256xf32, #tpu.memory_space<vmem>>) offsets(%dma_start3A_62 : memref<128xi32, #tpu.memory_space<vmem>>) semaphore(%arg9 : memref<!tpu.dma_semaphore, #tpu.memory_space<semaphore_mem>>)
    %dma_wait3A_66 = arith.constant 128 : i32
    %dma_wait3A_67 = tpu.memref_slice %arg5[%dma_wait3A_66] : memref<512xi32, #tpu.memory_space<vmem>> -> memref<128xi32, #tpu.memory_space<vmem>>
    %dma_wait3A_68 = arith.constant 0 : i32
    %dma_wait3A_69 = arith.constant 0 : i32
    %dma_wait3A_70 = tpu.memref_slice %arg2[%dma_wait3A_68, %dma_wait3A_69] : memref<1024x256xf32, #tpu.memory_space<hbm>> -> memref<1024x256xf32, #tpu.memory_space<hbm>>
    tpu.wait_indirect_dma semaphore(%arg10 : memref<!tpu.dma_semaphore, #tpu.memory_space<semaphore_mem>>) src(%dma_wait3A_70 : memref<1024x256xf32, #tpu.memory_space<hbm>>) dst(%arg7 : memref<128x256xf32, #tpu.memory_space<vmem>>)
    %add3A_71 = arith.constant 128 : i32
    %add3A_72 = arith.addi %mul3A_2, %add3A_71 : i32
    %dma_start3A_73 = arith.constant 0 : i32
    %dma_start3A_74 = tpu.memref_slice %arg4[%add3A_72, %dma_start3A_73] : memref<16384x256xf32, #tpu.memory_space<hbm>> -> memref<128x256xf32, #tpu.memory_space<hbm>>
    %dma_start3A_75 = arith.constant 0 : i32
    %dma_start3A_76 = tpu.memref_slice %arg4[%add3A_72, %dma_start3A_75] : memref<16384x256xf32, #tpu.memory_space<hbm>> -> memref<128x256xf32, #tpu.memory_space<hbm>>
    tpu.enqueue_dma source(%arg7 : memref<128x256xf32, #tpu.memory_space<vmem>>) target(%dma_start3A_76 : memref<128x256xf32, #tpu.memory_space<hbm>>) target_semaphore(%arg13 : memref<!tpu.dma_semaphore, #tpu.memory_space<semaphore_mem>>)
    %dma_wait3A_77 = arith.constant 256 : i32
    %dma_wait3A_78 = tpu.memref_slice %arg5[%dma_wait3A_77] : memref<512xi32, #tpu.memory_space<vmem>> -> memref<128xi32, #tpu.memory_space<vmem>>
    %dma_wait3A_79 = arith.constant 0 : i32
    %dma_wait3A_80 = arith.constant 0 : i32
    %dma_wait3A_81 = tpu.memref_slice %arg2[%dma_wait3A_79, %dma_wait3A_80] : memref<1024x256xf32, #tpu.memory_space<hbm>> -> memref<1024x256xf32, #tpu.memory_space<hbm>>
    tpu.wait_indirect_dma semaphore(%arg11 : memref<!tpu.dma_semaphore, #tpu.memory_space<semaphore_mem>>) src(%dma_wait3A_81 : memref<1024x256xf32, #tpu.memory_space<hbm>>) dst(%arg8 : memref<128x256xf32, #tpu.memory_space<vmem>>)
    %add3A_82 = arith.constant 256 : i32
    %add3A_83 = arith.addi %mul3A_2, %add3A_82 : i32
    %dma_start3A_84 = arith.constant 0 : i32
    %dma_start3A_85 = tpu.memref_slice %arg4[%add3A_83, %dma_start3A_84] : memref<16384x256xf32, #tpu.memory_space<hbm>> -> memref<128x256xf32, #tpu.memory_space<hbm>>
    %dma_start3A_86 = arith.constant 0 : i32
    %dma_start3A_87 = tpu.memref_slice %arg4[%add3A_83, %dma_start3A_86] : memref<16384x256xf32, #tpu.memory_space<hbm>> -> memref<128x256xf32, #tpu.memory_space<hbm>>
    tpu.enqueue_dma source(%arg8 : memref<128x256xf32, #tpu.memory_space<vmem>>) target(%dma_start3A_87 : memref<128x256xf32, #tpu.memory_space<hbm>>) target_semaphore(%arg14 : memref<!tpu.dma_semaphore, #tpu.memory_space<semaphore_mem>>)
    %dma_wait3A_88 = arith.constant 384 : i32
    %dma_wait3A_89 = tpu.memref_slice %arg5[%dma_wait3A_88] : memref<512xi32, #tpu.memory_space<vmem>> -> memref<128xi32, #tpu.memory_space<vmem>>
    %dma_wait3A_90 = arith.constant 0 : i32
    %dma_wait3A_91 = arith.constant 0 : i32
    %dma_wait3A_92 = tpu.memref_slice %arg2[%dma_wait3A_90, %dma_wait3A_91] : memref<1024x256xf32, #tpu.memory_space<hbm>> -> memref<1024x256xf32, #tpu.memory_space<hbm>>
    tpu.wait_indirect_dma semaphore(%arg9 : memref<!tpu.dma_semaphore, #tpu.memory_space<semaphore_mem>>) src(%dma_wait3A_92 : memref<1024x256xf32, #tpu.memory_space<hbm>>) dst(%arg6 : memref<128x256xf32, #tpu.memory_space<vmem>>)
    %add3A_93 = arith.constant 384 : i32
    %add3A_94 = arith.addi %mul3A_2, %add3A_93 : i32
    %dma_start3A_95 = arith.constant 0 : i32
    %dma_start3A_96 = tpu.memref_slice %arg4[%add3A_94, %dma_start3A_95] : memref<16384x256xf32, #tpu.memory_space<hbm>> -> memref<128x256xf32, #tpu.memory_space<hbm>>
    %dma_start3A_97 = arith.constant 0 : i32
    %dma_start3A_98 = tpu.memref_slice %arg4[%add3A_94, %dma_start3A_97] : memref<16384x256xf32, #tpu.memory_space<hbm>> -> memref<128x256xf32, #tpu.memory_space<hbm>>
    tpu.enqueue_dma source(%arg6 : memref<128x256xf32, #tpu.memory_space<vmem>>) target(%dma_start3A_98 : memref<128x256xf32, #tpu.memory_space<hbm>>) target_semaphore(%arg12 : memref<!tpu.dma_semaphore, #tpu.memory_space<semaphore_mem>>)
    %dma_wait3A_99 = arith.constant 0 : i32
    %dma_wait3A_100 = tpu.memref_slice %arg4[%add3A_72, %dma_wait3A_99] : memref<16384x256xf32, #tpu.memory_space<hbm>> -> memref<128x256xf32, #tpu.memory_space<hbm>>
    %dma_wait3A_101 = arith.constant 0 : i32
    %dma_wait3A_102 = tpu.memref_slice %arg4[%add3A_72, %dma_wait3A_101] : memref<16384x256xf32, #tpu.memory_space<hbm>> -> memref<128x256xf32, #tpu.memory_space<hbm>>
    tpu.wait_dma2 semaphore(%arg13 : memref<!tpu.dma_semaphore, #tpu.memory_space<semaphore_mem>>) src(%arg7 : memref<128x256xf32, #tpu.memory_space<vmem>>) dst(%dma_wait3A_102 : memref<128x256xf32, #tpu.memory_space<hbm>>)
    %dma_wait3A_103 = arith.constant 0 : i32
    %dma_wait3A_104 = tpu.memref_slice %arg4[%add3A_83, %dma_wait3A_103] : memref<16384x256xf32, #tpu.memory_space<hbm>> -> memref<128x256xf32, #tpu.memory_space<hbm>>
    %dma_wait3A_105 = arith.constant 0 : i32
    %dma_wait3A_106 = tpu.memref_slice %arg4[%add3A_83, %dma_wait3A_105] : memref<16384x256xf32, #tpu.memory_space<hbm>> -> memref<128x256xf32, #tpu.memory_space<hbm>>
    tpu.wait_dma2 semaphore(%arg14 : memref<!tpu.dma_semaphore, #tpu.memory_space<semaphore_mem>>) src(%arg8 : memref<128x256xf32, #tpu.memory_space<vmem>>) dst(%dma_wait3A_106 : memref<128x256xf32, #tpu.memory_space<hbm>>)
    %dma_wait3A_107 = arith.constant 0 : i32
    %dma_wait3A_108 = tpu.memref_slice %arg4[%add3A_94, %dma_wait3A_107] : memref<16384x256xf32, #tpu.memory_space<hbm>> -> memref<128x256xf32, #tpu.memory_space<hbm>>
    %dma_wait3A_109 = arith.constant 0 : i32
    %dma_wait3A_110 = tpu.memref_slice %arg4[%add3A_94, %dma_wait3A_109] : memref<16384x256xf32, #tpu.memory_space<hbm>> -> memref<128x256xf32, #tpu.memory_space<hbm>>
    tpu.wait_dma2 semaphore(%arg12 : memref<!tpu.dma_semaphore, #tpu.memory_space<semaphore_mem>>) src(%arg6 : memref<128x256xf32, #tpu.memory_space<vmem>>) dst(%dma_wait3A_110 : memref<128x256xf32, #tpu.memory_space<hbm>>)
    return
  }
}

module attributes {stable_mosaic.version = 14 : i64} {
  func.func @_tc_distance_argmin_body(%arg0: i32, %arg1: memref<1024x256xf32, #tpu.memory_space<vmem>>, %arg2: memref<256x1024xf32, #tpu.memory_space<vmem>>, %arg3: memref<1x1x1024xi32, #tpu.memory_space<vmem>>, %arg4: memref<1x1xf32, #tpu.memory_space<vmem>>, %arg5: memref<1024x256xf32, #tpu.memory_space<vmem>>, %arg6: memref<1024x1xf32, #tpu.memory_space<vmem>>) attributes {dimension_semantics = [#tpu.dimension_semantics<arbitrary>], iteration_bounds = array<i64: 16>, scalar_prefetch = 0 : i64, scratch_operands = 1 : i64, tpu.core_type = #tpu.core_type<tc>, window_params = [{transform_indices = @transform_0, window_bounds = array<i64: 1024, 256>}, {pipeline_mode = #tpu.pipeline_mode<synchronous>, transform_indices = @transform_1, window_bounds = array<i64: 256, 1024>}, {transform_indices = @transform_2, window_bounds = array<i64: 1, 1, 1024>}, {pipeline_mode = #tpu.pipeline_mode<synchronous>, transform_indices = @transform_3, window_bounds = array<i64: 1, 1>}, {pipeline_mode = #tpu.pipeline_mode<synchronous>, transform_indices = @transform_4, window_bounds = array<i64: 1024, 256>}]} {
    %eq3A = arith.constant 0 : i32
    %eq3A_0 = arith.cmpi eq, %arg0, %eq3A : i32
    %convert_element_type3A = arith.extui %eq3A_0 : i1 to i32
    %cond3A = arith.constant 0 : i32
    %cond3A_1 = arith.cmpi ne, %convert_element_type3A, %cond3A : i32
    scf.if %cond3A_1 {
      %get3A_47 = arith.constant 0 : index
      %get3A_48 = arith.constant 0 : index
      %get3A_49 = vector.load %arg2[%get3A_47, %get3A_48] : memref<256x1024xf32, #tpu.memory_space<vmem>>, vector<256x1024xf32>
      %transpose3A = tpu.transpose %get3A_49, [1, 0] : vector<256x1024xf32> -> vector<1024x256xf32>
      %swap3A_50 = arith.constant 0 : index
      %swap3A_51 = arith.constant 0 : index
      %swap3A_52 = vector.load %arg5[%swap3A_50, %swap3A_51] : memref<1024x256xf32, #tpu.memory_space<vmem>>, vector<1024x256xf32>
      tpu.vector_store %arg5[%swap3A_50, %swap3A_51], %transpose3A {strides = array<i32>} : memref<1024x256xf32, #tpu.memory_space<vmem>>, vector<1024x256xf32>,
      %mul3A_53 = arith.mulf %transpose3A, %transpose3A : vector<1024x256xf32>
      %reduce_sum3A_54 = arith.constant dense<0.000000e+00> : vector<1024xf32>
      %reduce_sum3A_55 = vector.multi_reduction <add>, %mul3A_53, %reduce_sum3A_54 [1] : vector<1024x256xf32> to vector<1024xf32>
      %broadcast_in_dim3A_56 = vector.shape_cast %reduce_sum3A_55 : vector<1024xf32> to vector<1024x1xf32>
      %swap3A_57 = arith.constant 0 : index
      %swap3A_58 = arith.constant 0 : index
      %swap3A_59 = vector.load %arg6[%swap3A_57, %swap3A_58] : memref<1024x1xf32, #tpu.memory_space<vmem>>, vector<1024x1xf32>
      tpu.vector_store %arg6[%swap3A_57, %swap3A_58], %broadcast_in_dim3A_56 {strides = array<i32>} : memref<1024x1xf32, #tpu.memory_space<vmem>>, vector<1024x1xf32>,
    } else {
    }
    %get3A = arith.constant 0 : index
    %get3A_2 = arith.constant 0 : index
    %get3A_3 = vector.load %arg1[%get3A, %get3A_2] : memref<1024x256xf32, #tpu.memory_space<vmem>>, vector<1024x256xf32>
    %broadcast_in_dim3A = arith.constant 1.000000e+00 : f32
    %broadcast_in_dim3A_4 = vector.broadcast %broadcast_in_dim3A : f32 to vector<1x256xf32>
    %mul3A = arith.mulf %get3A_3, %get3A_3 : vector<1024x256xf32>
    %dot_general3A = arith.constant dense<0.000000e+00> : vector<1x1024xf32>
    %dot_general3A_5 = tpu.matmul %broadcast_in_dim3A_4, %mul3A, %dot_general3A {dimension_numbers = #tpu.dot_dimension_numbers<[1], [1], [0], [0], [0, 0, 1, 0], [], []>, transpose_lhs_hint = false} : vector<1x256xf32>, vector<1024x256xf32>, vector<1x1024xf32> -> vector<1x1024xf32>
    %get3A_6 = arith.constant 0 : index
    %get3A_7 = arith.constant 0 : index
    %get3A_8 = vector.load %arg5[%get3A_6, %get3A_7] : memref<1024x256xf32, #tpu.memory_space<vmem>>, vector<1024x256xf32>
    %mul3A_9 = arith.constant -2.000000e+00 : f32
    %mul3A_10 = vector.broadcast %mul3A_9 : f32 to vector<1024x256xf32>
    %mul3A_11 = arith.mulf %get3A_3, %mul3A_10 : vector<1024x256xf32>
    %dot_general3A_12 = arith.constant dense<0.000000e+00> : vector<1024x1024xf32>
    %dot_general3A_13 = tpu.matmul %get3A_8, %mul3A_11, %dot_general3A_12 {dimension_numbers = #tpu.dot_dimension_numbers<[1], [1], [0], [0], [0, 0, 1, 0], [], []>, transpose_lhs_hint = false} : vector<1024x256xf32>, vector<1024x256xf32>, vector<1024x1024xf32> -> vector<1024x1024xf32>
    %get3A_14 = arith.constant 0 : index
    %get3A_15 = arith.constant 0 : index
    %get3A_16 = vector.load %arg6[%get3A_14, %get3A_15] : memref<1024x1xf32, #tpu.memory_space<vmem>>, vector<1024x1xf32>
    %add3A = vector.broadcast %get3A_16 : vector<1024x1xf32> to vector<1024x1024xf32>
    %add3A_17 = vector.broadcast %dot_general3A_5 : vector<1x1024xf32> to vector<1024x1024xf32>
    %add3A_18 = arith.addf %add3A, %add3A_17 : vector<1024x1024xf32>
    %add3A_19 = arith.addf %add3A_18, %dot_general3A_13 : vector<1024x1024xf32>
    %reduce_min3A = arith.constant dense<0x7F800000> : vector<1024xf32>
    %reduce_min3A_20 = vector.multi_reduction <minimumf>, %add3A_19, %reduce_min3A [0] : vector<1024x1024xf32> to vector<1024xf32>
    %broadcast_in_dim3A_21 = vector.shape_cast %reduce_min3A_20 : vector<1024xf32> to vector<1x1024xf32>
    %iota3A = tpu.iota {dimensions = array<i32: 0>} : vector<1024x1024xi32>
    %convert_element_type3A_22 = arith.sitofp %iota3A : vector<1024x1024xi32> to vector<1024x1024xf32>
    %eq3A_23 = vector.broadcast %broadcast_in_dim3A_21 : vector<1x1024xf32> to vector<1024x1024xf32>
    %eq3A_24 = arith.cmpf oeq, %add3A_19, %eq3A_23 : vector<1024x1024xf32>
    %jit3A = arith.constant 1.024000e+03 : f32
    %broadcast_in_dim3A_25 = vector.broadcast %jit3A : f32 to vector<1024x1024xf32>
    %select_n3A = arith.select %eq3A_24, %convert_element_type3A_22, %broadcast_in_dim3A_25 : vector<1024x1024xi1>, vector<1024x1024xf32>
    %reduce_min3A_26 = arith.constant dense<0x7F800000> : vector<1024xf32>
    %reduce_min3A_27 = vector.multi_reduction <minimumf>, %select_n3A, %reduce_min3A_26 [0] : vector<1024x1024xf32> to vector<1024xf32>
    %broadcast_in_dim3A_28 = vector.shape_cast %reduce_min3A_27 : vector<1024xf32> to vector<1x1024xf32>
    %convert_element_type3A_29 = arith.fptosi %broadcast_in_dim3A_28 : vector<1x1024xf32> to vector<1x1024xi32>
    %reshape3A = vector.shape_cast %convert_element_type3A_29 : vector<1x1024xi32> to vector<1x1x1024xi32>
    %swap3A = arith.constant 0 : index
    %swap3A_30 = arith.constant 0 : index
    %swap3A_31 = arith.constant 0 : index
    %swap3A_32 = vector.load %arg3[%swap3A, %swap3A_30, %swap3A_31] : memref<1x1x1024xi32, #tpu.memory_space<vmem>>, vector<1x1x1024xi32>
    tpu.vector_store %arg3[%swap3A, %swap3A_30, %swap3A_31], %reshape3A {strides = array<i32>} : memref<1x1x1024xi32, #tpu.memory_space<vmem>>, vector<1x1x1024xi32>,
    %reduce_sum3A = vector.shape_cast %broadcast_in_dim3A_21 : vector<1x1024xf32> to vector<1x1x1024xf32>
    %reduce_sum3A_33 = arith.constant dense<0.000000e+00> : vector<1xf32>
    %reduce_sum3A_34 = vector.multi_reduction <add>, %reduce_sum3A, %reduce_sum3A_33 [1, 2] : vector<1x1x1024xf32> to vector<1xf32>
    %reduce_sum3A_35 = vector.shape_cast %reduce_sum3A_34 : vector<1xf32> to vector<1x1x1xf32>
    %reduce_sum3A_36 = vector.extract %reduce_sum3A_35[0, 0, 0] : f32 from vector<1x1x1xf32>
    %reshape3A_37 = vector.broadcast %reduce_sum3A_36 : f32 to vector<1x1xf32>
    %eq3A_38 = arith.constant 0 : i32
    %eq3A_39 = arith.cmpi eq, %arg0, %eq3A_38 : i32
    %convert_element_type3A_40 = arith.extui %eq3A_39 : i1 to i32
    %cond3A_41 = arith.constant 0 : i32
    %cond3A_42 = arith.cmpi ne, %convert_element_type3A_40, %cond3A_41 : i32
    scf.if %cond3A_42 {
      %swap3A_47 = arith.constant 0 : index
      %swap3A_48 = arith.constant 0 : index
      %swap3A_49 = vector.load %arg4[%swap3A_47, %swap3A_48] : memref<1x1xf32, #tpu.memory_space<vmem>>, vector<1x1xf32>
      tpu.vector_store %arg4[%swap3A_47, %swap3A_48], %reshape3A_37 {strides = array<i32>} : memref<1x1xf32, #tpu.memory_space<vmem>>, vector<1x1xf32>,
    } else {
    }
    %gt3A = arith.constant 0 : i32
    %gt3A_43 = arith.cmpi sgt, %arg0, %gt3A : i32
    %convert_element_type3A_44 = arith.extui %gt3A_43 : i1 to i32
    %cond3A_45 = arith.constant 0 : i32
    %cond3A_46 = arith.cmpi ne, %convert_element_type3A_44, %cond3A_45 : i32
    scf.if %cond3A_46 {
      %get3A_47 = arith.constant 0 : index
      %get3A_48 = arith.constant 0 : index
      %get3A_49 = vector.load %arg4[%get3A_47, %get3A_48] : memref<1x1xf32, #tpu.memory_space<vmem>>, vector<1x1xf32>
      %add3A_50 = arith.addf %get3A_49, %reshape3A_37 : vector<1x1xf32>
      %swap3A_51 = arith.constant 0 : index
      %swap3A_52 = arith.constant 0 : index
      %swap3A_53 = vector.load %arg4[%swap3A_51, %swap3A_52] : memref<1x1xf32, #tpu.memory_space<vmem>>, vector<1x1xf32>
      tpu.vector_store %arg4[%swap3A_51, %swap3A_52], %add3A_50 {strides = array<i32>} : memref<1x1xf32, #tpu.memory_space<vmem>>, vector<1x1xf32>,
    } else {
    }
    return
  }
  func.func @transform_0(%arg0: i32) -> (i32, i32) {
    %c0_i32 = arith.constant 0 : i32
    %c0_i32_0 = arith.constant 0 : i32
    return %arg0, %c0_i32 : i32, i32
  }
  func.func @transform_1(%arg0: i32) -> (i32, i32) {
    %c0_i32 = arith.constant 0 : i32
    %c0_i32_0 = arith.constant 0 : i32
    %c0_i32_1 = arith.constant 0 : i32
    return %c0_i32, %c0_i32_0 : i32, i32
  }
  func.func @transform_2(%arg0: i32) -> (i32, i32, i32) {
    %c0_i32 = arith.constant 0 : i32
    %c0_i32_0 = arith.constant 0 : i32
    %c0_i32_1 = arith.constant 0 : i32
    return %arg0, %c0_i32, %c0_i32_0 : i32, i32, i32
  }
  func.func @transform_3(%arg0: i32) -> (i32, i32) {
    %c0_i32 = arith.constant 0 : i32
    %c0_i32_0 = arith.constant 0 : i32
    %c0_i32_1 = arith.constant 0 : i32
    return %c0_i32, %c0_i32_0 : i32, i32
  }
  func.func @transform_4(%arg0: i32) -> (i32, i32) {
    %c0_i32 = arith.constant 0 : i32
    %c0_i32_0 = arith.constant 0 : i32
    %c0_i32_1 = arith.constant 0 : i32
    return %c0_i32, %c0_i32_0 : i32, i32
  }
}

</mosaic_0001>

<sc_bundles>
// kernel: kernel.4.cloned.1.call-start
scs
__scs_entry_jumppad:
0x0: {  	(pc) =	sbr.rel $0x88, $3  }
0x1: {  	(tag) =	ssettag $0x0;
	lr =	simm.s32 $0x1  }
0x2: {  	[smem:$0x3F9F] =	sst lr;
	_ =	strace $0xD0000000  }
0x3: {  	_ = 	snop  }
0x4: {  	_ = 	snop  }
0x5: {  	_ = 	snop  }
0x6: {  	_ = 	snop  }
0x7: {  	_ = 	snop  }
__scs_overlays_trampoline_lowered:
0x8: {  	[smem:$0x3FAE] =	sst s0  }
0x9: {  	[smem:$0x3FAF] =	sst s1  }
0xa: {  	[smem:$0x3FB0] =	sst s2  }
0xb: {  	[smem:$0x3FB1] =	sst s3  }
0xc: {  	[smem:$0x3FB2] =	sst s4  }
0xd: {  	[smem:$0x3FB3] =	sst s5  }
0xe: {  	[smem:$0x3FB4] =	sst s6  }
0xf: {  	[smem:$0x3FB5] =	sst s7  }
0x10: {  	[smem:$0x3FB6] =	sst s8  }
0x11: {  	[smem:$0x3FB7] =	sst s9;
	s0 =	simm.s32 @!p0 $0x0  }
0x12: {  	s1 =	sld [smem:$0x3F9D];
	s0 =	simm.s32 @p0 $0x1  }
0x13: {  	[smem:$0x3FB8] =	sst s0;
	s0 =	simm.s32 @!p1 $0x0  }
0x14: {  	s2 =	sld [smem:$0x3F9C];
	s0 =	simm.s32 @p1 $0x1  }
0x15: {  	[smem:$0x3FB9] =	sst s0;
	s0 =	simm.s32 @!p2 $0x0  }
0x16: {  	s3 =	sld [smem:$0x3FDB];
	s0 =	simm.s32 @p2 $0x1  }
0x17: {  	s4 =	simm.s32 $0x1BF5;
	[smem:$0x3FBB] =	sst s0  }
0x18: {  	s0 =	sld [smem:$0x3F9E];
	_ =	swait.ge [sflag:s4], $0x0  }
0x19: {  	s7 =	sld [smem:$0x3F9F]  }
0x1a: {  	s8 =	sadd.s32 $0xFFFFE003, lr  }
0x1b: {  	s9 =	sadd.s32 $0xFFFFFEF7, lr;
	s5 =	simm.s32 $0xFFFFFFFF;
	p2 =	slt.u32 s8, $0xFFFFF086  }
0x1c: {  	p1 =	slt.u32 s9, $0xF7A;
	s5 =	simm.s32 @!p2 $0x0  }
0x1d: {  	s5 =	simm.s32 @p1 $0x1;
	p0 =	seq.s32 s7, s2  }
0x1e: {  	s7 =	smul.u32 @!p0 $0xF7A, s2;
	p2 =	seq.s32 @!p0 s5, $0x0  }
0x1f: {  	s9 =	smul.u32 $0xF7A, s1;
	s8 =	simm.s32 @!p0 $0x1BF5;
	p2 =	por !p2, p0  }
0x20: {  	[sflag:s8] =	ssyncset.s32 @!p0 $0xFFFFF086;
	s6 =	sadd.s32 @!p0 s3, s7;
	s7 =	simm.s32 @!p0 $0x108  }
0x21: {  	s3 =	sadd.s32 s3, s9;
	s6 =	sadd.s32 @!p0 $0x88, s6;
	s7 =	simm.s32 @p2 $0x1082  }
0x22: {  	[simem:s7], [sflag:s8] =	dma.local @!p0 [hbm:s6], $0xF7A  }
0x23: {  	s9 =	sor.u32 $0xD0000000, s2;
	s6 =	simm.s32 $0x108;
	_ =	swait.ge @!p0 [sflag:s8], $0x0  }
0x24: {  	s3 =	sadd.s32 $0x88, s3;
	s6 =	simm.s32 @!p1 $0x1082;
	[sflag:s4] =	ssyncset.s32 $0xFFFFF086  }
0x25: {  	[simem:s6], [sflag:s4] =	dma.local [hbm:s3], $0xF7A  }
0x26: {  	[smem:$0x3F9F] =	sst s1;
	(tag) =	ssettag s2;
	_ =	strace s9  }
0x27: {  	s1 =	sld [smem:$0x3FAF]  }
0x28: {  	s2 =	sld [smem:$0x3FB0]  }
0x29: {  	s4 =	sld [smem:$0x3FB2]  }
0x2a: {  	p0 =	seq.s32 s5, $0x0;
	s5 =	sld [smem:$0x3FB3]  }
0x2b: {  	s6 =	sld [smem:$0x3FB4]  }
0x2c: {  	s7 =	sld [smem:$0x3FB5]  }
0x2d: {  	s3 =	simm.s32 $0x108;
	s8 =	sld [smem:$0x3FB6]  }
0x2e: {  	s3 =	simm.s32 @!p0 $0x1082;
	s9 =	sld [smem:$0x3FB7]  }
0x2f: {  	lr =	sadd.s32 s0, s3;
	s0 =	sld [smem:$0x3FAE]  }
0x30: {  	s3 =	sld [smem:$0x3FB1]  }
0x31: {  	[smem:$0x3FBA] =	sst s10  }
0x32: {  	s10 =	sld [smem:$0x3FB8];
	_ =	sdelay $0x3  }
0x33: {  	p0 =	seq.s32 s10, $0x1;
	s10 =	sld [smem:$0x3FBA];
	_ =	sdelay $0x3  }
0x34: {  	[smem:$0x3FBA] =	sst s10  }
0x35: {  	s10 =	sld [smem:$0x3FB9];
	_ =	sdelay $0x3  }
0x36: {  	p1 =	seq.s32 s10, $0x1;
	s10 =	sld [smem:$0x3FBA];
	_ =	sdelay $0x3  }
0x37: {  	[smem:$0x3FBA] =	sst s10  }
0x38: {  	s10 =	sld [smem:$0x3FBB]  }
0x39: {  	_ = 	snop;
	(pc) =	sbr.ind lr, $3  }
0x3a: {  	_ = 	snop  }
0x3b: {  	_ = 	snop  }
0x3c: {  	p2 =	seq.s32 s10, $0x1;
	s10 =	sld [smem:$0x3FBA]  }
0x3d: {  	_ =	shalt  }
0x3e: {  	_ =	shalt  }
0x3f: {  	_ =	shalt  }
0x40: {  	_ =	shalt  }
0x41: {  	_ =	shalt  }
0x42: {  	_ =	shalt  }
0x43: {  	_ =	shalt  }
0x44: {  	_ =	shalt  }
0x45: {  	_ =	shalt  }
0x46: {  	_ =	shalt  }
0x47: {  	_ =	shalt  }
0x48: {  	_ =	shalt  }
0x49: {  	_ =	shalt  }
0x4a: {  	_ =	shalt  }
0x4b: {  	_ =	shalt  }
0x4c: {  	_ =	shalt  }
0x4d: {  	_ =	shalt  }
0x4e: {  	_ =	shalt  }
0x4f: {  	_ =	shalt  }
0x50: {  	_ =	shalt  }
0x51: {  	_ =	shalt  }
0x52: {  	_ =	shalt  }
0x53: {  	_ =	shalt  }
0x54: {  	_ =	shalt  }
0x55: {  	_ =	shalt  }
0x56: {  	_ =	shalt  }
0x57: {  	_ =	shalt  }
0x58: {  	_ =	shalt  }
0x59: {  	_ =	shalt  }
0x5a: {  	_ =	shalt  }
0x5b: {  	_ =	shalt  }
0x5c: {  	_ =	shalt  }
0x5d: {  	_ =	shalt  }
0x5e: {  	_ =	shalt  }
0x5f: {  	_ =	shalt  }
0x60: {  	_ =	shalt  }
0x61: {  	_ =	shalt  }
0x62: {  	_ =	shalt  }
0x63: {  	_ =	shalt  }
0x64: {  	_ =	shalt  }
0x65: {  	_ =	shalt  }
0x66: {  	_ =	shalt  }
0x67: {  	_ =	shalt  }
0x68: {  	_ =	shalt  }
0x69: {  	_ =	shalt  }
0x6a: {  	_ =	shalt  }
0x6b: {  	_ =	shalt  }
0x6c: {  	_ =	shalt  }
0x6d: {  	_ =	shalt  }
0x6e: {  	_ =	shalt  }
0x6f: {  	_ =	shalt  }
0x70: {  	_ =	shalt  }
0x71: {  	_ =	shalt  }
0x72: {  	_ =	shalt  }
0x73: {  	_ =	shalt  }
0x74: {  	_ =	shalt  }
0x75: {  	_ =	shalt  }
0x76: {  	_ =	shalt  }
0x77: {  	_ =	shalt  }
0x78: {  	_ =	shalt  }
0x79: {  	_ =	shalt  }
0x7a: {  	_ =	shalt  }
0x7b: {  	_ =	shalt  }
0x7c: {  	_ =	shalt  }
0x7d: {  	_ =	shalt  }
0x7e: {  	_ =	shalt  }
0x7f: {  	_ =	shalt  }
0x80: {  	_ =	shalt  }
0x81: {  	_ =	shalt  }
0x82: {  	_ =	shalt  }
0x83: {  	_ =	shalt  }
0x84: {  	_ =	shalt  }
0x85: {  	_ =	shalt  }
0x86: {  	_ =	shalt  }
0x87: {  	_ =	shalt  }
.Lfunc_end0:
.L_simem_size_0:
called_computation_lowered:
.L_overlay_start_0:
0x88: {  	s2 =	sld [smem:$0x3FD9]  }
0x89: {  	s3 =	sld [smem:$0x3FFE];
	_ =	sdelay $0x1  }
0x8a: {  	s1 =	srdreg.scid  }
0x8b: {  	s0 =	sand.u32 $0x1, s1  }
0x8c: {  	s14 =	sshll.u32 s0, $0xA;
	s2 =	sadd.s32 s3, s2  }
0x8d: {  	s2 =	sadd.s32 s2, s14  }
0x8e: {  	[smem:$0x3FC6] =	sst s2  }
0x8f: {  	_ = 	snop  }
0x90: {  	s2 =	sld [smem:$0x3FD0];
	_ =	sdelay $0x2  }
0x91: {  	s15 =	simm.s32 $0xA;
	s4 =	simm.s32 $0x10  }
0x92: {  	[smem:s4], [sflag:s15] =	dma.local [hbm:s2], $0x1  }
0x93: {  	_ =	swait.eq [sflag:s15], $0x1  }
0x94: {  	[sflag:s15] =	ssyncset.done $0x0  }
0x95: {  	[sflag:s15] =	ssyncadd.s32 $0xFFFFFFFF  }
0x96: {  	s16 =	sld [smem:$0x10];
	(tm) =	ssettm $0x1  }
0x97: {  	s17 =	sld [smem:$0x3FFB];
	_ =	sdelay $0x3  }
0x98: {  	_ =	strace s17  }
0x99: {  	s3 =	sld [smem:$0x3FFC];
	_ =	sdelay $0x3  }
0x9a: {  	_ =	strace s3  }
0x9b: {  	s3 =	sld [smem:$0x3FFD];
	_ =	sdelay $0x3  }
0x9c: {  	_ =	strace s3  }
0x9d: {  	_ =	strace $0x8FFFFFFF  }
0x9e: {  	s18 =	sld [smem:$0x3FDB];
	_ =	sdelay $0x1  }
0x9f: {  	s19 =	simm.s32 $_scs_section_size  }
0xa0: {  	s5 =	simm.s32 $_size__tile_overlayer_lowered;
	s6 =	simm.s32 $_tile_overlayer_lowered  }
0xa1: {  	s22 =	simm.s32 $0x1BFF;
	s21 =	sshll.u32 s6, $0x1;
	s3 =	sadd.s32 s19, s18  }
0xa2: {  	s7 =	simm.s32 $0x0;
	s20 =	sshll.u32 s5, $0x1;
	s5 =	sadd.s32 s21, s3  }
0xa3: {  	[timem:s7], [sflag:s22] =	dma.local [hbm:s5], s20  }
0xa4: {  	_ =	swait.ge [sflag:s22], s20  }
0xa5: {  	s4 =	ssub.s32 $0x0, s20;
	[sflag:s22] =	ssyncset.done $0x0  }
0xa6: {  	[sflag:s22] =	ssyncadd.s32 s4;
	_ =	sdelay $0x1  }
0xa7: {  	s23 =	simm.s32 $0x1B8B  }
0xa8: {  	_ =	swait.ge [sflag:s23], $0x1  }
0xa9: {  	[sflag:s23] =	ssyncset.done $0x0  }
0xaa: {  	s25 =	simm.s32 $0x1B8E;
	s24 =	sld [smem:$0x3FFE];
	[sflag:s23] =	ssyncadd.s32 $0xFFFFFFFF  }
0xab: {  	s26 =	simm.s32 $execute0_lowered;
	[smem:$0x3FD2] =	sst s25  }
0xac: {  	s5 =	sshll.u32 s26, $0x1;
	_ =	strace $0x80000046;
	[dreg:$0x1] =	wrdreg $0xFFFFFFFF  }
0xad: {  	s28 =	simm.s32 $_size_execute0_lowered;
	s3 =	sadd.s32 s3, s5;
	[dreg:$0x0] =	wrdreg $0x0  }
0xae: {  	s5 =	sshll.u32 s28, $0x1;
	[dreg:$0x2] =	wrdreg s3  }
0xaf: {  	[dreg:$0x3] =	wrdreg s5  }
0xb0: {  	[dreg:$0x4] =	wrdreg $0xC0  }
0xb1: {  	_ =	task [dreg:s7], $0x5FFFF  }
0xb2: {  	[dreg:$0x1] =	wrdreg $0xFFFFFFFF  }
0xb3: {  	[dreg:$0x0] =	wrdreg $0x60  }
0xb4: {  	[dreg:$0x2] =	wrdreg s24  }
0xb5: {  	[dreg:$0x3] =	wrdreg s16  }
0xb6: {  	[dreg:$0x4] =	wrdreg $0x9  }
0xb7: {  	_ =	task.clear_ibuf [dreg:s7], $0x5FFFF;
	_ =	strace $0x90000046  }
0xb8: {  	s29 =	simm.s32 $0x9;
	_ =	strace $0x80000048  }
0xb9: {  	_ =	swait.ge [sflag:s29], $0x1  }
0xba: {  	[sflag:s29] =	ssyncadd.s32 $0xFFFFFFFF  }
0xbb: {  	_ =	strace $0x90000048  }
0xbc: {  	_ =	sfence  }
0xbd: {  	s30 =	sld [smem:$0x0];
	_ =	sdelay $0x2  }
0xbe: {  	s31 =	sshll.u32 s1, $0xD;
	s1 =	sshrl.u32 s1, $0x2  }
0xbf: {  	s3 =	sand.u32 $0x4000, s31;
	s1 =	sadd.s32 s1, s30  }
0xc0: {  	s0 =	sor.u32 s3, s0;
	s1 =	sshll.u32 s1, $0x11  }
0xc1: {  	s0 =	sor.u32 s1, s0  }
0xc2: {  	s0 =	sadd.s32 $0x8F2B, s0  }
0xc3: {  	[sflag:s0] =	ssyncadd.remote.s32 $0x1  }
0xc4: {  	_ =	sfence.sel $0xFFFF  }
0xc5: {  	[dreg:$0x0] =	wrdreg $0xFFFFFFFF;
	(pc) =	sbr.abs _section_cstart, $3  }
0xc6: {  	[dreg:$0x1] =	wrdreg $0xFFFFFFFF  }
0xc7: {  	_ =	task.clear_ibuf [dreg:s7], $0x2FFFF;
	_ =	strace $0x9FFFFFFF  }
0xc8: {  	(tm) =	ssettm $0x7FFFFFFF  }
0xc9: {  	_ =	shalt  }
tec
execute0_lowered:
.L_overlay_start_1:
0x0: {  	(tag) =	ssettag $0x1  }
0x1: {  	s1 =	srdreg.scid  }
0x2: {  	s0 =	stileid.u32;
	s1 =	sand.u32 $0x1, s1  }
0x3: {  	s2 =	sshll.u32 s0, $0xA;
	s3 =	sshll.u32 s1, $0x9  }
0x4: {  	s4 =	sor.u32 s3, s2  }
0x5: {  	p1 =	seq.s32 s1, $0x1;
	p0 =	seq.s32 s4, $0x0  }
0x6: {  	p0 =	por !p0, !p1  }
0x7: {  	s2 =	simm.s32 $0x1;
	p0 =	por !p0, !p0  }
0x8: {  	s2 =	simm.s32 @!p0 $0x0  }
0x9: {  	s2 =	ssub.s32 s0, s2  }
0xa: {  	s5 =	rddreg [dreg:$0x0];
	s2 =	sshll.u32 s2, $0xA  }
0xb: {  	s6 =	rddreg [dreg:$0x1];
	s3 =	sor.u32 s3, s2;
	s2 =	simm.s32 $0x0  }
0xc: {  	s17 =	simm.s32 $0x8A00;
	s18 =	simm.s32 $0x9200;
	[smem:$0x7FF] =	sst s2  }
0xd: {  	s19 =	simm.s32 $0x9A00;
	_ =	strace $0x80000047;
	[dreg:$0x7] =	wrdreg s17  }
0xe: {  	s20 =	simm.s32 $0xA200;
	s21 =	simm.s32 $0xAA00;
	[dreg:$0x8] =	wrdreg s18  }
0xf: {  	s22 =	simm.s32 $0xB200;
	s23 =	simm.s32 $0xBA00;
	[dreg:$0x9] =	wrdreg s19  }
0x10: {  	s24 =	simm.s32 $0xC200;
	s25 =	simm.s32 $0xCA00;
	[dreg:$0xa] =	wrdreg s20  }
0x11: {  	s8 =	simm.s32 $0xDA00;
	s9 =	simm.s32 $0xE200;
	[dreg:$0xb] =	wrdreg s21  }
0x12: {  	s10 =	simm.s32 $0xEA00;
	s11 =	simm.s32 $0xF200;
	[dreg:$0xc] =	wrdreg s22  }
0x13: {  	s12 =	simm.s32 $0xFA00;
	s13 =	simm.s32 $0x10A00;
	[dreg:$0xd] =	wrdreg s23  }
0x14: {  	s14 =	simm.s32 $0x11200;
	s28 =	simm.s32 $0x4;
	[dreg:$0xe] =	wrdreg s24  }
0x15: {  	s29 =	simm.s32 $0x2;
	s0 =	simm.s32 $0xD200;
	[dreg:$0xf] =	wrdreg s25  }
0x16: {  	s30 =	simm.s32 $0x3;
	s1 =	ssub.s32 $0x2, s1;
	[dreg:$0x10] =	wrdreg s0  }
0x17: {  	s31 =	simm.s32 $0x5;
	s26 =	sshrl.u32 s1, $0x1;
	[dreg:$0x11] =	wrdreg s8  }
0x18: {  	s4 =	sshll.u32 s4, $0x5;
	s1 =	ssub.s32 s1, s26;
	[dreg:$0x12] =	wrdreg s9  }
0x19: {  	s26 =	simm.s32 $0x17200;
	s3 =	sshrl.u32 s3, $0x3;
	[dreg:$0x13] =	wrdreg s10  }
0x1a: {  	s3 =	sadd.s32 s3, s5;
	s8 =	simm.s32 $0x200;
	[dreg:$0x14] =	wrdreg s11  }
0x1b: {  	s9 =	simm.s32 $0xA00;
	s10 =	simm.s32 $0x1200;
	[dreg:$0x15] =	wrdreg s12  }
0x1c: {  	s11 =	simm.s32 $0x1A00;
	[dreg:$0x16] =	wrdreg s13;
	s12 =	simm.s32 $0x2200  }
0x1d: {  	[dreg:$0x17] =	wrdreg s14;
	s13 =	simm.s32 $0x2A00;
	s14 =	simm.s32 $0x3200  }
0x1e: {  	s17 =	simm.s32 $0x12A00;
	s18 =	simm.s32 $0x13200;
	[smem:$0x7FD] =	sst s26  }
0x1f: {  	s19 =	simm.s32 $0x13A00;
	s20 =	simm.s32 $0x14200;
	[dreg:$0x1a] =	wrdreg s17  }
0x20: {  	s21 =	simm.s32 $0x14A00;
	s22 =	simm.s32 $0x15200;
	[dreg:$0x1b] =	wrdreg s18  }
0x21: {  	s23 =	simm.s32 $0x15A00;
	s24 =	simm.s32 $0x16200;
	[dreg:$0x1c] =	wrdreg s19  }
0x22: {  	s25 =	simm.s32 $0x16A00;
	s7 =	sadd.s32 $0x8E00, s3;
	[dreg:$0x1d] =	wrdreg s20  }
0x23: {  	s3 =	sadd.s32 s6, s4;
	s6 =	smax.u32 s1, $0x1;
	[dreg:$0x1e] =	wrdreg s21  }
0x24: {  	s17 =	simm.s32 $0x4A00;
	s18 =	simm.s32 $0x5200;
	[dreg:$0x1f] =	wrdreg s22  }
0x25: {  	s19 =	simm.s32 $0x5A00;
	s20 =	simm.s32 $0x6200;
	[smem:$0x7FA] =	sst s23  }
0x26: {  	s21 =	simm.s32 $0x6A00;
	s22 =	simm.s32 $0x7200;
	[smem:$0x7FB] =	sst s24  }
0x27: {  	s23 =	simm.s32 $0x7A00;
	[smem:$0x7FC] =	sst s25;
	s24 =	simm.s32 $0x8200  }
0x28: {  	s25 =	simm.s32 $0x10200;
	[dreg:$0x3] =	wrdreg s7;
	s4 =	sadd.s32 $0x1000, s3  }
0x29: {  	s1 =	simm.s32 $0x6;
	s15 =	sadd.s32 $0x2000, s3;
	[dreg:$0x4] =	wrdreg s4  }
0x2a: {  	s16 =	sadd.s32 $0x3000, s3;
	s7 =	simm.s32 $0x7;
	[dreg:$0x5] =	wrdreg s15  }
0x2b: {  	v2 =	vlaneseq.u32;
	[dreg:$0x6] =	wrdreg s16;
	s4 =	sadd.s32 $0xE00, s5;
	s15 =	simm.s32 $0x11A00  }
0x2c: {  	vm0 =	vmmov $0xffff;
	v1 =	vshrl.u32 v2, $0x3;
	s5 =	simm.s32 $0x1;
	s16 =	simm.s32 $0x12200;
	[dreg:$0x18] =	wrdreg s15  }
0x2d: {  	v0 =	vand.u32 $0x7, v2;
	v2 =	vor.u32 $0x8, v2;
	v1 =	vmul.u32 $0x8, v1;
	[dreg:$0x19] =	wrdreg s16;
	s15 =	simm.s32 $0x3A00;
	s16 =	simm.s32 $0x4200  }
.LBB2_1:
0x2e: {  	s0 =	rddreg [dreg:$0x3]  }
0x2f: {  	[tilespmem:s2], [sflag:$0x7] =	stream.linear.gather [hbm4b:s0+s2], $0x200, $0x38;
	[tilespmem:$0x18200] =	vst v63  }
0x30: {  	_ =	swait.ge [sflag:s7], $0x200  }
0x31: {  	[sflag:s7] =	ssyncset.done $0x0  }
0x32: {  	[sflag:s7] =	ssyncadd.s32 $0xFFFFFE00  }
0x33: {  	v3 =	vld [tilespmem:$0x0];
	_ =	sdelay $0x4  }
0x34: {  	v4 =	vshll.u32 v3, $0x1  }
0x35: {  	v3 =	vand.u32 $0x7, v3;
	v4 =	vand.u32 $0xFFFFFFF0, v4  }
0x36: {  	v3 =	vor.u32 v3, v4  }
0x37: {  	v4 =	vperm.xlane v3, v0;
	_ =	sdelay $0x1  }
0x38: {  	v3 =	vperm.xlane v3, v2;
	v4 =	vadd.s32 v1, v4;
	_ =	sdelay $0x1  }
0x39: {  	v3 =	vadd.s32 v1, v3;
	_ =	sdelay $0x2  }
0x3a: {  	[tilespmem:s8], [sflag:$0x1] =	stream.indirect_vreg.gather [hbm4b:s4+s2], $0x80, v4, vm0, $0xb8;
	[tilespmem:$0x18200] =	vst v63  }
0x3b: {  	_ = 	snop  }
0x3c: {  	[tilespmem:s9], [sflag:$0x1] =	stream.indirect_vreg.gather [hbm4b:s4+s2], $0x80, v3, vm0, $0xb8;
	[tilespmem:$0x18200] =	vst v63  }
0x3d: {  	v3 =	vld [tilespmem:$0x10];
	_ =	sdelay $0x4  }
0x3e: {  	v33 =	vshll.u32 v3, $0x1  }
0x3f: {  	v3 =	vand.u32 $0x7, v3;
	v4 =	vand.u32 $0xFFFFFFF0, v33  }
0x40: {  	v3 =	vor.u32 v3, v4  }
0x41: {  	v4 =	vperm.xlane v3, v0;
	_ =	sdelay $0x1  }
0x42: {  	v3 =	vperm.xlane v3, v2;
	v4 =	vadd.s32 v1, v4;
	_ =	sdelay $0x1  }
0x43: {  	v3 =	vadd.s32 v1, v3;
	_ =	sdelay $0x2  }
0x44: {  	[tilespmem:s10], [sflag:$0x1] =	stream.indirect_vreg.gather [hbm4b:s4+s2], $0x80, v4, vm0, $0xb8;
	[tilespmem:$0x18200] =	vst v63  }
0x45: {  	_ = 	snop  }
0x46: {  	[tilespmem:s11], [sflag:$0x1] =	stream.indirect_vreg.gather [hbm4b:s4+s2], $0x80, v3, vm0, $0xb8;
	[tilespmem:$0x18200] =	vst v63  }
0x47: {  	v3 =	vld [tilespmem:$0x20];
	_ =	sdelay $0x4  }
0x48: {  	v34 =	vshll.u32 v3, $0x1  }
0x49: {  	v3 =	vand.u32 $0x7, v3;
	v4 =	vand.u32 $0xFFFFFFF0, v34  }
0x4a: {  	v3 =	vor.u32 v3, v4  }
0x4b: {  	v4 =	vperm.xlane v3, v0;
	_ =	sdelay $0x1  }
0x4c: {  	v3 =	vperm.xlane v3, v2;
	v4 =	vadd.s32 v1, v4;
	_ =	sdelay $0x1  }
0x4d: {  	v3 =	vadd.s32 v1, v3;
	_ =	sdelay $0x2  }
0x4e: {  	[tilespmem:s12], [sflag:$0x1] =	stream.indirect_vreg.gather [hbm4b:s4+s2], $0x80, v4, vm0, $0xb8;
	[tilespmem:$0x18200] =	vst v63  }
0x4f: {  	_ = 	snop  }
0x50: {  	[tilespmem:s13], [sflag:$0x1] =	stream.indirect_vreg.gather [hbm4b:s4+s2], $0x80, v3, vm0, $0xb8;
	[tilespmem:$0x18200] =	vst v63  }
0x51: {  	v3 =	vld [tilespmem:$0x30];
	_ =	sdelay $0x4  }
0x52: {  	v35 =	vshll.u32 v3, $0x1  }
0x53: {  	v3 =	vand.u32 $0x7, v3;
	v4 =	vand.u32 $0xFFFFFFF0, v35  }
0x54: {  	v3 =	vor.u32 v3, v4  }
0x55: {  	v4 =	vperm.xlane v3, v0;
	_ =	sdelay $0x1  }
0x56: {  	v3 =	vperm.xlane v3, v2;
	v4 =	vadd.s32 v1, v4;
	_ =	sdelay $0x1  }
0x57: {  	v3 =	vadd.s32 v1, v3;
	_ =	sdelay $0x2  }
0x58: {  	[tilespmem:s14], [sflag:$0x1] =	stream.indirect_vreg.gather [hbm4b:s4+s2], $0x80, v4, vm0, $0xb8;
	[tilespmem:$0x18200] =	vst v63  }
0x59: {  	_ = 	snop  }
0x5a: {  	[tilespmem:s15], [sflag:$0x1] =	stream.indirect_vreg.gather [hbm4b:s4+s2], $0x80, v3, vm0, $0xb8;
	[tilespmem:$0x18200] =	vst v63  }
0x5b: {  	v3 =	vld [tilespmem:$0x40];
	_ =	sdelay $0x4  }
0x5c: {  	v36 =	vshll.u32 v3, $0x1  }
0x5d: {  	v3 =	vand.u32 $0x7, v3;
	v4 =	vand.u32 $0xFFFFFFF0, v36  }
0x5e: {  	v3 =	vor.u32 v3, v4  }
0x5f: {  	v4 =	vperm.xlane v3, v0;
	_ =	sdelay $0x1  }
0x60: {  	v3 =	vperm.xlane v3, v2;
	v4 =	vadd.s32 v1, v4;
	_ =	sdelay $0x1  }
0x61: {  	v3 =	vadd.s32 v1, v3;
	_ =	sdelay $0x2  }
0x62: {  	[tilespmem:s16], [sflag:$0x1] =	stream.indirect_vreg.gather [hbm4b:s4+s2], $0x80, v4, vm0, $0xb8;
	[tilespmem:$0x18200] =	vst v63  }
0x63: {  	_ = 	snop  }
0x64: {  	[tilespmem:s17], [sflag:$0x1] =	stream.indirect_vreg.gather [hbm4b:s4+s2], $0x80, v3, vm0, $0xb8;
	[tilespmem:$0x18200] =	vst v63  }
0x65: {  	v3 =	vld [tilespmem:$0x50];
	_ =	sdelay $0x4  }
0x66: {  	v37 =	vshll.u32 v3, $0x1  }
0x67: {  	v3 =	vand.u32 $0x7, v3;
	v4 =	vand.u32 $0xFFFFFFF0, v37  }
0x68: {  	v3 =	vor.u32 v3, v4  }
0x69: {  	v4 =	vperm.xlane v3, v0;
	_ =	sdelay $0x1  }
0x6a: {  	v3 =	vperm.xlane v3, v2;
	v4 =	vadd.s32 v1, v4;
	_ =	sdelay $0x1  }
0x6b: {  	v3 =	vadd.s32 v1, v3;
	_ =	sdelay $0x2  }
0x6c: {  	[tilespmem:s18], [sflag:$0x1] =	stream.indirect_vreg.gather [hbm4b:s4+s2], $0x80, v4, vm0, $0xb8;
	[tilespmem:$0x18200] =	vst v63  }
0x6d: {  	_ = 	snop  }
0x6e: {  	[tilespmem:s19], [sflag:$0x1] =	stream.indirect_vreg.gather [hbm4b:s4+s2], $0x80, v3, vm0, $0xb8;
	[tilespmem:$0x18200] =	vst v63  }
0x6f: {  	v3 =	vld [tilespmem:$0x60];
	_ =	sdelay $0x4  }
0x70: {  	v38 =	vshll.u32 v3, $0x1  }
0x71: {  	v3 =	vand.u32 $0x7, v3;
	v4 =	vand.u32 $0xFFFFFFF0, v38  }
0x72: {  	v3 =	vor.u32 v3, v4  }
0x73: {  	v4 =	vperm.xlane v3, v0;
	_ =	sdelay $0x1  }
0x74: {  	v3 =	vperm.xlane v3, v2;
	v4 =	vadd.s32 v1, v4;
	_ =	sdelay $0x1  }
0x75: {  	v3 =	vadd.s32 v1, v3;
	_ =	sdelay $0x2  }
0x76: {  	[tilespmem:s20], [sflag:$0x1] =	stream.indirect_vreg.gather [hbm4b:s4+s2], $0x80, v4, vm0, $0xb8;
	[tilespmem:$0x18200] =	vst v63  }
0x77: {  	_ = 	snop  }
0x78: {  	[tilespmem:s21], [sflag:$0x1] =	stream.indirect_vreg.gather [hbm4b:s4+s2], $0x80, v3, vm0, $0xb8;
	[tilespmem:$0x18200] =	vst v63  }
0x79: {  	v3 =	vld [tilespmem:$0x70];
	_ =	sdelay $0x4  }
0x7a: {  	v39 =	vshll.u32 v3, $0x1  }
0x7b: {  	v3 =	vand.u32 $0x7, v3;
	v4 =	vand.u32 $0xFFFFFFF0, v39  }
0x7c: {  	v3 =	vor.u32 v3, v4  }
0x7d: {  	v4 =	vperm.xlane v3, v0;
	_ =	sdelay $0x1  }
0x7e: {  	v3 =	vperm.xlane v3, v2;
	v4 =	vadd.s32 v1, v4;
	_ =	sdelay $0x1  }
0x7f: {  	v3 =	vadd.s32 v1, v3;
	_ =	sdelay $0x2  }
0x80: {  	[tilespmem:s22], [sflag:$0x1] =	stream.indirect_vreg.gather [hbm4b:s4+s2], $0x80, v4, vm0, $0xb8;
	[tilespmem:$0x18200] =	vst v63  }
0x81: {  	_ = 	snop  }
0x82: {  	[tilespmem:s23], [sflag:$0x1] =	stream.indirect_vreg.gather [hbm4b:s4+s2], $0x80, v3, vm0, $0xb8;
	[tilespmem:$0x18200] =	vst v63  }
0x83: {  	v3 =	vld [tilespmem:$0x80];
	_ =	sdelay $0x4  }
0x84: {  	v40 =	vshll.u32 v3, $0x1  }
0x85: {  	v3 =	vand.u32 $0x7, v3;
	v4 =	vand.u32 $0xFFFFFFF0, v40  }
0x86: {  	v3 =	vor.u32 v3, v4  }
0x87: {  	v4 =	vperm.xlane v3, v0;
	_ =	sdelay $0x1  }
0x88: {  	v3 =	vperm.xlane v3, v2;
	v4 =	vadd.s32 v1, v4;
	_ =	sdelay $0x1  }
0x89: {  	v3 =	vadd.s32 v1, v3;
	_ =	sdelay $0x2  }
0x8a: {  	[tilespmem:s24], [sflag:$0x2] =	stream.indirect_vreg.gather [hbm4b:s4+s2], $0x80, v4, vm0, $0xb8;
	[tilespmem:$0x18200] =	vst v63  }
0x8b: {  	s26 =	rddreg [dreg:$0x7]  }
0x8c: {  	[tilespmem:s26], [sflag:$0x2] =	stream.indirect_vreg.gather [hbm4b:s4+s2], $0x80, v3, vm0, $0xb8;
	[tilespmem:$0x18200] =	vst v63  }
0x8d: {  	v3 =	vld [tilespmem:$0x90];
	_ =	sdelay $0x4  }
0x8e: {  	v41 =	vshll.u32 v3, $0x1  }
0x8f: {  	v3 =	vand.u32 $0x7, v3;
	v4 =	vand.u32 $0xFFFFFFF0, v41  }
0x90: {  	v3 =	vor.u32 v3, v4  }
0x91: {  	v4 =	vperm.xlane v3, v0;
	_ =	sdelay $0x1  }
0x92: {  	v3 =	vperm.xlane v3, v2;
	v4 =	vadd.s32 v1, v4;
	_ =	sdelay $0x1  }
0x93: {  	v3 =	vadd.s32 v1, v3;
	_ =	sdelay $0x1  }
0x94: {  	s0 =	rddreg [dreg:$0x8]  }
0x95: {  	[tilespmem:s0], [sflag:$0x2] =	stream.indirect_vreg.gather [hbm4b:s4+s2], $0x80, v4, vm0, $0xb8;
	[tilespmem:$0x18200] =	vst v63  }
0x96: {  	s26 =	rddreg [dreg:$0x9]  }
0x97: {  	[tilespmem:s26], [sflag:$0x2] =	stream.indirect_vreg.gather [hbm4b:s4+s2], $0x80, v3, vm0, $0xb8;
	[tilespmem:$0x18200] =	vst v63  }
0x98: {  	v3 =	vld [tilespmem:$0xA0];
	_ =	sdelay $0x4  }
0x99: {  	v42 =	vshll.u32 v3, $0x1  }
0x9a: {  	v3 =	vand.u32 $0x7, v3;
	v4 =	vand.u32 $0xFFFFFFF0, v42  }
0x9b: {  	v3 =	vor.u32 v3, v4  }
0x9c: {  	v4 =	vperm.xlane v3, v0;
	_ =	sdelay $0x1  }
0x9d: {  	v3 =	vperm.xlane v3, v2;
	v4 =	vadd.s32 v1, v4;
	_ =	sdelay $0x1  }
0x9e: {  	v3 =	vadd.s32 v1, v3;
	_ =	sdelay $0x1  }
0x9f: {  	s0 =	rddreg [dreg:$0xa]  }
0xa0: {  	[tilespmem:s0], [sflag:$0x2] =	stream.indirect_vreg.gather [hbm4b:s4+s2], $0x80, v4, vm0, $0xb8;
	[tilespmem:$0x18200] =	vst v63  }
0xa1: {  	s26 =	rddreg [dreg:$0xb]  }
0xa2: {  	[tilespmem:s26], [sflag:$0x2] =	stream.indirect_vreg.gather [hbm4b:s4+s2], $0x80, v3, vm0, $0xb8;
	[tilespmem:$0x18200] =	vst v63  }
0xa3: {  	v3 =	vld [tilespmem:$0xB0];
	_ =	sdelay $0x4  }
0xa4: {  	v43 =	vshll.u32 v3, $0x1  }
0xa5: {  	v3 =	vand.u32 $0x7, v3;
	v4 =	vand.u32 $0xFFFFFFF0, v43  }
0xa6: {  	v3 =	vor.u32 v3, v4  }
0xa7: {  	v4 =	vperm.xlane v3, v0;
	_ =	sdelay $0x1  }
0xa8: {  	v3 =	vperm.xlane v3, v2;
	v4 =	vadd.s32 v1, v4;
	_ =	sdelay $0x1  }
0xa9: {  	v3 =	vadd.s32 v1, v3;
	_ =	sdelay $0x1  }
0xaa: {  	s0 =	rddreg [dreg:$0xc]  }
0xab: {  	[tilespmem:s0], [sflag:$0x2] =	stream.indirect_vreg.gather [hbm4b:s4+s2], $0x80, v4, vm0, $0xb8;
	[tilespmem:$0x18200] =	vst v63  }
0xac: {  	s26 =	rddreg [dreg:$0xd]  }
0xad: {  	[tilespmem:s26], [sflag:$0x2] =	stream.indirect_vreg.gather [hbm4b:s4+s2], $0x80, v3, vm0, $0xb8;
	[tilespmem:$0x18200] =	vst v63  }
0xae: {  	v3 =	vld [tilespmem:$0xC0];
	_ =	sdelay $0x4  }
0xaf: {  	v44 =	vshll.u32 v3, $0x1  }
0xb0: {  	v3 =	vand.u32 $0x7, v3;
	v4 =	vand.u32 $0xFFFFFFF0, v44  }
0xb1: {  	v3 =	vor.u32 v3, v4  }
0xb2: {  	v4 =	vperm.xlane v3, v0;
	_ =	sdelay $0x1  }
0xb3: {  	v3 =	vperm.xlane v3, v2;
	v4 =	vadd.s32 v1, v4;
	_ =	sdelay $0x1  }
0xb4: {  	v3 =	vadd.s32 v1, v3;
	_ =	sdelay $0x1  }
0xb5: {  	s0 =	rddreg [dreg:$0xe]  }
0xb6: {  	[tilespmem:s0], [sflag:$0x2] =	stream.indirect_vreg.gather [hbm4b:s4+s2], $0x80, v4, vm0, $0xb8;
	[tilespmem:$0x18200] =	vst v63  }
0xb7: {  	s26 =	rddreg [dreg:$0xf]  }
0xb8: {  	[tilespmem:s26], [sflag:$0x2] =	stream.indirect_vreg.gather [hbm4b:s4+s2], $0x80, v3, vm0, $0xb8;
	[tilespmem:$0x18200] =	vst v63  }
0xb9: {  	v3 =	vld [tilespmem:$0xD0];
	_ =	sdelay $0x4  }
0xba: {  	v45 =	vshll.u32 v3, $0x1  }
0xbb: {  	v3 =	vand.u32 $0x7, v3;
	v4 =	vand.u32 $0xFFFFFFF0, v45  }
0xbc: {  	v3 =	vor.u32 v3, v4  }
0xbd: {  	v4 =	vperm.xlane v3, v0;
	_ =	sdelay $0x1  }
0xbe: {  	v3 =	vperm.xlane v3, v2;
	v4 =	vadd.s32 v1, v4;
	_ =	sdelay $0x1  }
0xbf: {  	v3 =	vadd.s32 v1, v3;
	_ =	sdelay $0x1  }
0xc0: {  	s0 =	rddreg [dreg:$0x10]  }
0xc1: {  	[tilespmem:s0], [sflag:$0x2] =	stream.indirect_vreg.gather [hbm4b:s4+s2], $0x80, v4, vm0, $0xb8;
	[tilespmem:$0x18200] =	vst v63  }
0xc2: {  	s26 =	rddreg [dreg:$0x11]  }
0xc3: {  	[tilespmem:s26], [sflag:$0x2] =	stream.indirect_vreg.gather [hbm4b:s4+s2], $0x80, v3, vm0, $0xb8;
	[tilespmem:$0x18200] =	vst v63  }
0xc4: {  	v3 =	vld [tilespmem:$0xE0];
	_ =	sdelay $0x4  }
0xc5: {  	v46 =	vshll.u32 v3, $0x1  }
0xc6: {  	v3 =	vand.u32 $0x7, v3;
	v4 =	vand.u32 $0xFFFFFFF0, v46  }
0xc7: {  	v3 =	vor.u32 v3, v4  }
0xc8: {  	v4 =	vperm.xlane v3, v0;
	_ =	sdelay $0x1  }
0xc9: {  	v3 =	vperm.xlane v3, v2;
	v4 =	vadd.s32 v1, v4;
	_ =	sdelay $0x1  }
0xca: {  	v3 =	vadd.s32 v1, v3;
	_ =	sdelay $0x1  }
0xcb: {  	s0 =	rddreg [dreg:$0x12]  }
0xcc: {  	[tilespmem:s0], [sflag:$0x2] =	stream.indirect_vreg.gather [hbm4b:s4+s2], $0x80, v4, vm0, $0xb8;
	[tilespmem:$0x18200] =	vst v63  }
0xcd: {  	s26 =	rddreg [dreg:$0x13]  }
0xce: {  	[tilespmem:s26], [sflag:$0x2] =	stream.indirect_vreg.gather [hbm4b:s4+s2], $0x80, v3, vm0, $0xb8;
	[tilespmem:$0x18200] =	vst v63  }
0xcf: {  	v3 =	vld [tilespmem:$0xF0];
	_ =	sdelay $0x4  }
0xd0: {  	v47 =	vshll.u32 v3, $0x1  }
0xd1: {  	v3 =	vand.u32 $0x7, v3;
	v4 =	vand.u32 $0xFFFFFFF0, v47  }
0xd2: {  	v3 =	vor.u32 v3, v4  }
0xd3: {  	v4 =	vperm.xlane v3, v0;
	_ =	sdelay $0x1  }
0xd4: {  	v3 =	vperm.xlane v3, v2;
	v4 =	vadd.s32 v1, v4;
	_ =	sdelay $0x1  }
0xd5: {  	v3 =	vadd.s32 v1, v3;
	_ =	sdelay $0x1  }
0xd6: {  	s0 =	rddreg [dreg:$0x14]  }
0xd7: {  	[tilespmem:s0], [sflag:$0x2] =	stream.indirect_vreg.gather [hbm4b:s4+s2], $0x80, v4, vm0, $0xb8;
	[tilespmem:$0x18200] =	vst v63  }
0xd8: {  	s26 =	rddreg [dreg:$0x15]  }
0xd9: {  	[tilespmem:s26], [sflag:$0x2] =	stream.indirect_vreg.gather [hbm4b:s4+s2], $0x80, v3, vm0, $0xb8;
	[tilespmem:$0x18200] =	vst v63  }
0xda: {  	v3 =	vld [tilespmem:$0x100];
	_ =	sdelay $0x4  }
0xdb: {  	v48 =	vshll.u32 v3, $0x1  }
0xdc: {  	v3 =	vand.u32 $0x7, v3;
	v4 =	vand.u32 $0xFFFFFFF0, v48  }
0xdd: {  	v3 =	vor.u32 v3, v4  }
0xde: {  	v4 =	vperm.xlane v3, v0;
	_ =	sdelay $0x1  }
0xdf: {  	v3 =	vperm.xlane v3, v2;
	v4 =	vadd.s32 v1, v4;
	_ =	sdelay $0x1  }
0xe0: {  	v3 =	vadd.s32 v1, v3;
	_ =	sdelay $0x2  }
0xe1: {  	[tilespmem:s25], [sflag:$0x3] =	stream.indirect_vreg.gather [hbm4b:s4+s2], $0x80, v4, vm0, $0xb8;
	[tilespmem:$0x18200] =	vst v63  }
0xe2: {  	s26 =	rddreg [dreg:$0x16]  }
0xe3: {  	[tilespmem:s26], [sflag:$0x3] =	stream.indirect_vreg.gather [hbm4b:s4+s2], $0x80, v3, vm0, $0xb8;
	[tilespmem:$0x18200] =	vst v63  }
0xe4: {  	v3 =	vld [tilespmem:$0x110];
	_ =	sdelay $0x4  }
0xe5: {  	v49 =	vshll.u32 v3, $0x1  }
0xe6: {  	v3 =	vand.u32 $0x7, v3;
	v4 =	vand.u32 $0xFFFFFFF0, v49  }
0xe7: {  	v3 =	vor.u32 v3, v4  }
0xe8: {  	v4 =	vperm.xlane v3, v0;
	_ =	sdelay $0x1  }
0xe9: {  	v3 =	vperm.xlane v3, v2;
	v4 =	vadd.s32 v1, v4;
	_ =	sdelay $0x1  }
0xea: {  	v3 =	vadd.s32 v1, v3;
	_ =	sdelay $0x1  }
0xeb: {  	s0 =	rddreg [dreg:$0x17]  }
0xec: {  	[tilespmem:s0], [sflag:$0x3] =	stream.indirect_vreg.gather [hbm4b:s4+s2], $0x80, v4, vm0, $0xb8;
	[tilespmem:$0x18200] =	vst v63  }
0xed: {  	s26 =	rddreg [dreg:$0x18]  }
0xee: {  	[tilespmem:s26], [sflag:$0x3] =	stream.indirect_vreg.gather [hbm4b:s4+s2], $0x80, v3, vm0, $0xb8;
	[tilespmem:$0x18200] =	vst v63  }
0xef: {  	v3 =	vld [tilespmem:$0x120];
	_ =	sdelay $0x4  }
0xf0: {  	v50 =	vshll.u32 v3, $0x1  }
0xf1: {  	v3 =	vand.u32 $0x7, v3;
	v4 =	vand.u32 $0xFFFFFFF0, v50  }
0xf2: {  	v3 =	vor.u32 v3, v4  }
0xf3: {  	v4 =	vperm.xlane v3, v0;
	_ =	sdelay $0x1  }
0xf4: {  	v3 =	vperm.xlane v3, v2;
	v4 =	vadd.s32 v1, v4;
	_ =	sdelay $0x1  }
0xf5: {  	v3 =	vadd.s32 v1, v3;
	_ =	sdelay $0x1  }
0xf6: {  	s0 =	rddreg [dreg:$0x19]  }
0xf7: {  	[tilespmem:s0], [sflag:$0x3] =	stream.indirect_vreg.gather [hbm4b:s4+s2], $0x80, v4, vm0, $0xb8;
	[tilespmem:$0x18200] =	vst v63  }
0xf8: {  	s26 =	rddreg [dreg:$0x1a]  }
0xf9: {  	[tilespmem:s26], [sflag:$0x3] =	stream.indirect_vreg.gather [hbm4b:s4+s2], $0x80, v3, vm0, $0xb8;
	[tilespmem:$0x18200] =	vst v63  }
0xfa: {  	v3 =	vld [tilespmem:$0x130];
	_ =	sdelay $0x4  }
0xfb: {  	v51 =	vshll.u32 v3, $0x1  }
0xfc: {  	v3 =	vand.u32 $0x7, v3;
	v4 =	vand.u32 $0xFFFFFFF0, v51  }
0xfd: {  	v3 =	vor.u32 v3, v4  }
0xfe: {  	v4 =	vperm.xlane v3, v0;
	_ =	sdelay $0x1  }
0xff: {  	v3 =	vperm.xlane v3, v2;
	v4 =	vadd.s32 v1, v4;
	_ =	sdelay $0x1  }
0x100: {  	v3 =	vadd.s32 v1, v3;
	_ =	sdelay $0x1  }
0x101: {  	s0 =	rddreg [dreg:$0x1b]  }
0x102: {  	[tilespmem:s0], [sflag:$0x3] =	stream.indirect_vreg.gather [hbm4b:s4+s2], $0x80, v4, vm0, $0xb8;
	[tilespmem:$0x18200] =	vst v63  }
0x103: {  	s26 =	rddreg [dreg:$0x1c]  }
0x104: {  	[tilespmem:s26], [sflag:$0x3] =	stream.indirect_vreg.gather [hbm4b:s4+s2], $0x80, v3, vm0, $0xb8;
	[tilespmem:$0x18200] =	vst v63  }
0x105: {  	v3 =	vld [tilespmem:$0x140];
	_ =	sdelay $0x4  }
0x106: {  	v52 =	vshll.u32 v3, $0x1  }
0x107: {  	v3 =	vand.u32 $0x7, v3;
	v4 =	vand.u32 $0xFFFFFFF0, v52  }
0x108: {  	v3 =	vor.u32 v3, v4  }
0x109: {  	v4 =	vperm.xlane v3, v0;
	_ =	sdelay $0x1  }
0x10a: {  	v3 =	vperm.xlane v3, v2;
	v4 =	vadd.s32 v1, v4;
	_ =	sdelay $0x1  }
0x10b: {  	v3 =	vadd.s32 v1, v3;
	_ =	sdelay $0x1  }
0x10c: {  	s0 =	rddreg [dreg:$0x1d]  }
0x10d: {  	[tilespmem:s0], [sflag:$0x3] =	stream.indirect_vreg.gather [hbm4b:s4+s2], $0x80, v4, vm0, $0xb8;
	[tilespmem:$0x18200] =	vst v63  }
0x10e: {  	s26 =	rddreg [dreg:$0x1e]  }
0x10f: {  	[tilespmem:s26], [sflag:$0x3] =	stream.indirect_vreg.gather [hbm4b:s4+s2], $0x80, v3, vm0, $0xb8;
	[tilespmem:$0x18200] =	vst v63  }
0x110: {  	v3 =	vld [tilespmem:$0x150];
	_ =	sdelay $0x4  }
0x111: {  	v53 =	vshll.u32 v3, $0x1  }
0x112: {  	v3 =	vand.u32 $0x7, v3;
	v4 =	vand.u32 $0xFFFFFFF0, v53  }
0x113: {  	v3 =	vor.u32 v3, v4  }
0x114: {  	v4 =	vperm.xlane v3, v0;
	_ =	sdelay $0x1  }
0x115: {  	v3 =	vperm.xlane v3, v2;
	v4 =	vadd.s32 v1, v4;
	_ =	sdelay $0x1  }
0x116: {  	v3 =	vadd.s32 v1, v3  }
0x117: {  	s0 =	rddreg [dreg:$0x1f]  }
0x118: {  	s26 =	sld [smem:$0x7FA]  }
0x119: {  	[tilespmem:s0], [sflag:$0x3] =	stream.indirect_vreg.gather [hbm4b:s4+s2], $0x80, v4, vm0, $0xb8;
	[tilespmem:$0x18200] =	vst v63  }
0x11a: {  	_ = 	snop  }
0x11b: {  	[tilespmem:s26], [sflag:$0x3] =	stream.indirect_vreg.gather [hbm4b:s4+s2], $0x80, v3, vm0, $0xb8;
	[tilespmem:$0x18200] =	vst v63  }
0x11c: {  	v3 =	vld [tilespmem:$0x160];
	_ =	sdelay $0x4  }
0x11d: {  	v54 =	vshll.u32 v3, $0x1  }
0x11e: {  	v3 =	vand.u32 $0x7, v3;
	v4 =	vand.u32 $0xFFFFFFF0, v54  }
0x11f: {  	v3 =	vor.u32 v3, v4  }
0x120: {  	v4 =	vperm.xlane v3, v0;
	_ =	sdelay $0x1  }
0x121: {  	v3 =	vperm.xlane v3, v2;
	v4 =	vadd.s32 v1, v4;
	_ =	sdelay $0x1  }
0x122: {  	s0 =	sld [smem:$0x7FB];
	v3 =	vadd.s32 v1, v3;
	_ =	sdelay $0x1  }
0x123: {  	s26 =	sld [smem:$0x7FC]  }
0x124: {  	[tilespmem:s0], [sflag:$0x3] =	stream.indirect_vreg.gather [hbm4b:s4+s2], $0x80, v4, vm0, $0xb8;
	[tilespmem:$0x18200] =	vst v63  }
0x125: {  	_ = 	snop  }
0x126: {  	[tilespmem:s26], [sflag:$0x3] =	stream.indirect_vreg.gather [hbm4b:s4+s2], $0x80, v3, vm0, $0xb8;
	[tilespmem:$0x18200] =	vst v63  }
0x127: {  	v3 =	vld [tilespmem:$0x170];
	_ =	sdelay $0x4  }
0x128: {  	v55 =	vshll.u32 v3, $0x1  }
0x129: {  	v3 =	vand.u32 $0x7, v3;
	v4 =	vand.u32 $0xFFFFFFF0, v55  }
0x12a: {  	v3 =	vor.u32 v3, v4  }
0x12b: {  	v4 =	vperm.xlane v3, v0;
	_ =	sdelay $0x1  }
0x12c: {  	v3 =	vperm.xlane v3, v2;
	v4 =	vadd.s32 v1, v4;
	_ =	sdelay $0x1  }
0x12d: {  	s26 =	sld [smem:$0x7FD];
	v3 =	vadd.s32 v1, v3;
	_ =	sdelay $0x2  }
0x12e: {  	[tilespmem:s26], [sflag:$0x3] =	stream.indirect_vreg.gather [hbm4b:s4+s2], $0x80, v4, vm0, $0xb8;
	[tilespmem:$0x18200] =	vst v63  }
0x12f: {  	s26 =	simm.s32 $0x17A00  }
0x130: {  	[tilespmem:s26], [sflag:$0x3] =	stream.indirect_vreg.gather [hbm4b:s4+s2], $0x80, v3, vm0, $0xb8;
	[tilespmem:$0x18200] =	vst v63  }
0x131: {  	_ =	swait.ge [sflag:s5], $0x8000  }
0x132: {  	[sflag:s5] =	ssyncset.done $0x0  }
0x133: {  	[sflag:s5] =	ssyncadd.s32 $0xFFFF8000  }
0x134: {  	[hbm4b:s3+s2] =	stream.linear.scatter [tilespmem:s8], [sflag:$0x4], $0x8000, $0x38;
	[tilespmem:$0x18200] =	vst v63  }
0x135: {  	_ =	swait.ge [sflag:s28], $0x8000  }
0x136: {  	[sflag:s28] =	ssyncset.done $0x0  }
0x137: {  	[sflag:s28] =	ssyncadd.s32 $0xFFFF8000  }
0x138: {  	v3 =	vld [tilespmem:$0x180];
	_ =	sdelay $0x4  }
0x139: {  	v56 =	vshll.u32 v3, $0x1  }
0x13a: {  	v3 =	vand.u32 $0x7, v3;
	v4 =	vand.u32 $0xFFFFFFF0, v56  }
0x13b: {  	v3 =	vor.u32 v3, v4  }
0x13c: {  	v4 =	vperm.xlane v3, v0;
	_ =	sdelay $0x1  }
0x13d: {  	v3 =	vperm.xlane v3, v2;
	v4 =	vadd.s32 v1, v4;
	_ =	sdelay $0x1  }
0x13e: {  	v3 =	vadd.s32 v1, v3;
	_ =	sdelay $0x2  }
0x13f: {  	[tilespmem:s8], [sflag:$0x1] =	stream.indirect_vreg.gather [hbm4b:s4+s2], $0x80, v4, vm0, $0xb8;
	[tilespmem:$0x18200] =	vst v63  }
0x140: {  	_ = 	snop  }
0x141: {  	[tilespmem:s9], [sflag:$0x1] =	stream.indirect_vreg.gather [hbm4b:s4+s2], $0x80, v3, vm0, $0xb8;
	[tilespmem:$0x18200] =	vst v63  }
0x142: {  	v3 =	vld [tilespmem:$0x190];
	_ =	sdelay $0x4  }
0x143: {  	v57 =	vshll.u32 v3, $0x1  }
0x144: {  	v3 =	vand.u32 $0x7, v3;
	v4 =	vand.u32 $0xFFFFFFF0, v57  }
0x145: {  	v3 =	vor.u32 v3, v4  }
0x146: {  	v4 =	vperm.xlane v3, v0;
	_ =	sdelay $0x1  }
0x147: {  	v3 =	vperm.xlane v3, v2;
	v4 =	vadd.s32 v1, v4;
	_ =	sdelay $0x1  }
0x148: {  	v3 =	vadd.s32 v1, v3;
	_ =	sdelay $0x2  }
0x149: {  	[tilespmem:s10], [sflag:$0x1] =	stream.indirect_vreg.gather [hbm4b:s4+s2], $0x80, v4, vm0, $0xb8;
	[tilespmem:$0x18200] =	vst v63  }
0x14a: {  	_ = 	snop  }
0x14b: {  	[tilespmem:s11], [sflag:$0x1] =	stream.indirect_vreg.gather [hbm4b:s4+s2], $0x80, v3, vm0, $0xb8;
	[tilespmem:$0x18200] =	vst v63  }
0x14c: {  	v3 =	vld [tilespmem:$0x1A0];
	_ =	sdelay $0x4  }
0x14d: {  	v58 =	vshll.u32 v3, $0x1  }
0x14e: {  	v3 =	vand.u32 $0x7, v3;
	v4 =	vand.u32 $0xFFFFFFF0, v58  }
0x14f: {  	v3 =	vor.u32 v3, v4  }
0x150: {  	v4 =	vperm.xlane v3, v0;
	_ =	sdelay $0x1  }
0x151: {  	v3 =	vperm.xlane v3, v2;
	v4 =	vadd.s32 v1, v4;
	_ =	sdelay $0x1  }
0x152: {  	v3 =	vadd.s32 v1, v3;
	_ =	sdelay $0x2  }
0x153: {  	[tilespmem:s12], [sflag:$0x1] =	stream.indirect_vreg.gather [hbm4b:s4+s2], $0x80, v4, vm0, $0xb8;
	[tilespmem:$0x18200] =	vst v63  }
0x154: {  	_ = 	snop  }
0x155: {  	[tilespmem:s13], [sflag:$0x1] =	stream.indirect_vreg.gather [hbm4b:s4+s2], $0x80, v3, vm0, $0xb8;
	[tilespmem:$0x18200] =	vst v63  }
0x156: {  	v3 =	vld [tilespmem:$0x1B0];
	_ =	sdelay $0x4  }
0x157: {  	v59 =	vshll.u32 v3, $0x1  }
0x158: {  	v3 =	vand.u32 $0x7, v3;
	v4 =	vand.u32 $0xFFFFFFF0, v59  }
0x159: {  	v3 =	vor.u32 v3, v4  }
0x15a: {  	v4 =	vperm.xlane v3, v0;
	_ =	sdelay $0x1  }
0x15b: {  	v3 =	vperm.xlane v3, v2;
	v4 =	vadd.s32 v1, v4;
	_ =	sdelay $0x1  }
0x15c: {  	v3 =	vadd.s32 v1, v3;
	_ =	sdelay $0x2  }
0x15d: {  	[tilespmem:s14], [sflag:$0x1] =	stream.indirect_vreg.gather [hbm4b:s4+s2], $0x80, v4, vm0, $0xb8;
	[tilespmem:$0x18200] =	vst v63  }
0x15e: {  	_ = 	snop  }
0x15f: {  	[tilespmem:s15], [sflag:$0x1] =	stream.indirect_vreg.gather [hbm4b:s4+s2], $0x80, v3, vm0, $0xb8;
	[tilespmem:$0x18200] =	vst v63  }
0x160: {  	v3 =	vld [tilespmem:$0x1C0];
	_ =	sdelay $0x4  }
0x161: {  	v60 =	vshll.u32 v3, $0x1  }
0x162: {  	v3 =	vand.u32 $0x7, v3;
	v4 =	vand.u32 $0xFFFFFFF0, v60  }
0x163: {  	v3 =	vor.u32 v3, v4  }
0x164: {  	v4 =	vperm.xlane v3, v0;
	_ =	sdelay $0x1  }
0x165: {  	v3 =	vperm.xlane v3, v2;
	v4 =	vadd.s32 v1, v4;
	_ =	sdelay $0x1  }
0x166: {  	v3 =	vadd.s32 v1, v3;
	_ =	sdelay $0x2  }
0x167: {  	[tilespmem:s16], [sflag:$0x1] =	stream.indirect_vreg.gather [hbm4b:s4+s2], $0x80, v4, vm0, $0xb8;
	[tilespmem:$0x18200] =	vst v63  }
0x168: {  	_ = 	snop  }
0x169: {  	[tilespmem:s17], [sflag:$0x1] =	stream.indirect_vreg.gather [hbm4b:s4+s2], $0x80, v3, vm0, $0xb8;
	[tilespmem:$0x18200] =	vst v63  }
0x16a: {  	v3 =	vld [tilespmem:$0x1D0];
	_ =	sdelay $0x4  }
0x16b: {  	v61 =	vshll.u32 v3, $0x1  }
0x16c: {  	v3 =	vand.u32 $0x7, v3;
	v4 =	vand.u32 $0xFFFFFFF0, v61  }
0x16d: {  	v3 =	vor.u32 v3, v4  }
0x16e: {  	v4 =	vperm.xlane v3, v0;
	_ =	sdelay $0x1  }
0x16f: {  	v3 =	vperm.xlane v3, v2;
	v4 =	vadd.s32 v1, v4;
	_ =	sdelay $0x1  }
0x170: {  	v3 =	vadd.s32 v1, v3;
	_ =	sdelay $0x2  }
0x171: {  	[tilespmem:s18], [sflag:$0x1] =	stream.indirect_vreg.gather [hbm4b:s4+s2], $0x80, v4, vm0, $0xb8;
	[tilespmem:$0x18200] =	vst v63  }
0x172: {  	_ = 	snop  }
0x173: {  	[tilespmem:s19], [sflag:$0x1] =	stream.indirect_vreg.gather [hbm4b:s4+s2], $0x80, v3, vm0, $0xb8;
	[tilespmem:$0x18200] =	vst v63  }
0x174: {  	v3 =	vld [tilespmem:$0x1E0];
	_ =	sdelay $0x4  }
0x175: {  	v62 =	vshll.u32 v3, $0x1  }
0x176: {  	v3 =	vand.u32 $0x7, v3;
	v4 =	vand.u32 $0xFFFFFFF0, v62  }
0x177: {  	v3 =	vor.u32 v3, v4  }
0x178: {  	v4 =	vperm.xlane v3, v0;
	_ =	sdelay $0x1  }
0x179: {  	v3 =	vperm.xlane v3, v2;
	v4 =	vadd.s32 v1, v4;
	_ =	sdelay $0x1  }
0x17a: {  	v3 =	vadd.s32 v1, v3;
	_ =	sdelay $0x2  }
0x17b: {  	[tilespmem:s20], [sflag:$0x1] =	stream.indirect_vreg.gather [hbm4b:s4+s2], $0x80, v4, vm0, $0xb8;
	[tilespmem:$0x18200] =	vst v63  }
0x17c: {  	_ = 	snop  }
0x17d: {  	[tilespmem:s21], [sflag:$0x1] =	stream.indirect_vreg.gather [hbm4b:s4+s2], $0x80, v3, vm0, $0xb8;
	[tilespmem:$0x18200] =	vst v63  }
0x17e: {  	v3 =	vld [tilespmem:$0x1F0];
	_ =	sdelay $0x4  }
0x17f: {  	v63 =	vshll.u32 v3, $0x1  }
0x180: {  	v3 =	vand.u32 $0x7, v3;
	v4 =	vand.u32 $0xFFFFFFF0, v63  }
0x181: {  	v3 =	vor.u32 v3, v4  }
0x182: {  	v4 =	vperm.xlane v3, v0;
	_ =	sdelay $0x1  }
0x183: {  	v3 =	vperm.xlane v3, v2;
	v4 =	vadd.s32 v1, v4;
	_ =	sdelay $0x1  }
0x184: {  	v3 =	vadd.s32 v1, v3;
	_ =	sdelay $0x2  }
0x185: {  	[tilespmem:s22], [sflag:$0x1] =	stream.indirect_vreg.gather [hbm4b:s4+s2], $0x80, v4, vm0, $0xb8;
	[tilespmem:$0x18200] =	vst v63  }
0x186: {  	_ = 	snop  }
0x187: {  	[tilespmem:s23], [sflag:$0x1] =	stream.indirect_vreg.gather [hbm4b:s4+s2], $0x80, v3, vm0, $0xb8;
	[tilespmem:$0x18200] =	vst v63  }
0x188: {  	_ =	swait.ge [sflag:s29], $0x8000  }
0x189: {  	[sflag:s29] =	ssyncset.done $0x0  }
0x18a: {  	s26 =	rddreg [dreg:$0x4];
	[sflag:s29] =	ssyncadd.s32 $0xFFFF8000  }
0x18b: {  	[hbm4b:s26+s2] =	stream.linear.scatter [tilespmem:s24], [sflag:$0x5], $0x8000, $0x38;
	[tilespmem:$0x18200] =	vst v63  }
0x18c: {  	_ =	swait.ge [sflag:s30], $0x8000  }
0x18d: {  	[sflag:s30] =	ssyncset.done $0x0  }
0x18e: {  	s26 =	rddreg [dreg:$0x5];
	[sflag:s30] =	ssyncadd.s32 $0xFFFF8000  }
0x18f: {  	[hbm4b:s26+s2] =	stream.linear.scatter [tilespmem:s25], [sflag:$0x6], $0x8000, $0x38;
	[tilespmem:$0x18200] =	vst v63  }
0x190: {  	_ =	swait.ge [sflag:s5], $0x8000  }
0x191: {  	[sflag:s5] =	ssyncset.done $0x0  }
0x192: {  	s26 =	rddreg [dreg:$0x6];
	[sflag:s5] =	ssyncadd.s32 $0xFFFF8000  }
0x193: {  	[hbm4b:s26+s2] =	stream.linear.scatter [tilespmem:s8], [sflag:$0x4], $0x8000, $0x38;
	[tilespmem:$0x18200] =	vst v63  }
0x194: {  	_ =	swait.ge [sflag:s31], $0x8000  }
0x195: {  	[sflag:s31] =	ssyncset.done $0x0  }
0x196: {  	[sflag:s31] =	ssyncadd.s32 $0xFFFF8000  }
0x197: {  	p0 =	sne.s32 s6, $0x1;
	_ =	swait.ge [sflag:s1], $0x8000  }
.Ltmp0:
0x198: {  	[sflag:s1] =	ssyncset.done $0x0;
	(pc) =	sbr.rel @p0 .LBB2_1-.Ltmp0, $4  }
0x199: {  	[sflag:s1] =	ssyncadd.s32 $0xFFFF8000  }
0x19a: {  	_ =	swait.ge [sflag:s28], $0x8000  }
0x19b: {  	[sflag:s28] =	ssyncset.done $0x0  }
0x19c: {  	s6 =	sadd.s32 $0xFFFFFFFF, s6;
	[sflag:s28] =	ssyncadd.s32 $0xFFFF8000  }
0x19d: {  	_ =	sfence.sel $0x180000  }
0x19e: {  	[bflag:$0x0] =	sbarrier.arrive $0xFFFF  }
0x19f: {  	_ =	strace $0x90000047  }
0x1a0: {  	s0 =	stileid.u32;
	[bflag:$0x2] =	sbarrier.arrive $0xFFFF  }
0x1a1: {  	p0 =	sne.s32 s0, $0x0;
	s0 =	rddreg [dreg:$0x2]  }
0x1a2: {  	s0 =	sadd.s32 @!p0 $0x100000, s0  }
0x1a3: {  	[sflag:s0] =	ssyncadd.tile.s32 @!p0 $0x1;
	_ =	shalt  }
.Lfunc_end2:
_tile_overlayer_lowered:
.L_overlay_start_2:
0x1a4: {  	(tag) =	ssettag $0x2  }
0x1a5: {  	s0 =	rddreg [dreg:$0x0];
	s2 =	stileid.u32  }
0x1a6: {  	s1 =	rddreg [dreg:$0x1];
	p0 =	sne.s32 s2, $0x0  }
0x1a7: {  	s3 =	rddreg [dreg:$0x2];
	[bflag:$0x3] =	sbarrier.arrive $0xFFFF;
	s2 =	simm.s32 @!p0 $0x1C07  }
0x1a8: {  	[timem:s3], [sflag:s2] =	dma.local @!p0 [hbm:s0], s1  }
0x1a9: {  	s0 =	simm.s32 @!p0 $0x7  }
0x1aa: {  	_ =	swait.ge @!p0 [sflag:s0], s1  }
0x1ab: {  	s1 =	ssub.s32 @!p0 $0x0, s1;
	[sflag:s0] =	ssyncset.done @!p0 $0x0  }
0x1ac: {  	[sflag:s0] =	ssyncadd.s32 @!p0 s1  }
0x1ad: {  	[bflag:$0x3] =	sbarrier.arrive $0xFFFF  }
0x1ae: {  	_ =	shalt  }

</sc_bundles>
